<compile_context>
chip_gen: v7x
topology: tpu7x:2x2x1
jax: 0.10.2.dev20260603
libtpu: 0.0.44.dev20260713+nightly
codegen_flags: <defaults>
</compile_context>

<pallas_src>
import functools

import jax
import jax.numpy as jnp
from jax import lax
from jax.experimental import pallas as pl
from jax.experimental.pallas import tpu as pltpu
from jax.experimental.pallas import tpu_sc as plsc

D = 128
NC = 2
NS = 16
NW = NC * NS
CB = 128
NBUF = 6
LAG = 5


@functools.lru_cache(maxsize=None)
def _make_gather(S: int, T: int):
    assert S % (NW * CB) == 0
    nch = T
    assert nch > NBUF >= LAG + 1

    mesh = plsc.VectorSubcoreMesh(core_axis_name="c", subcore_axis_name="s")

    @functools.partial(
        pl.kernel,
        mesh=mesh,
        out_type=jax.ShapeDtypeStruct((T, S, D), jnp.float32),
        scratch_types=[
            pltpu.VMEM((T, CB), jnp.int32),
            pltpu.VMEM((NBUF, CB, D), jnp.float32),
        ]
        + [pltpu.SemaphoreType.DMA] * NBUF
        + [pltpu.SemaphoreType.DMA] * NBUF,
    )
    def gather_kernel(table_hbm, idx_hbm, out_hbm, idx_v, rows_v, *sems):
        gsem = sems[:NBUF]
        osem = sems[NBUF:]
        wid = lax.axis_index("s") * NC + lax.axis_index("c")
        s0 = wid * CB

        pltpu.sync_copy(idx_hbm.at[:, pl.ds(s0, CB)], idx_v)

        def start_gather(t, b):
            pltpu.async_copy(table_hbm.at[idx_v.at[t]], rows_v.at[b], gsem[b])

        def start_out(t, b):
            pltpu.async_copy(
                rows_v.at[b], out_hbm.at[t].at[pl.ds(s0, CB)], osem[b]
            )

        def wait_gather(b):
            pltpu.make_async_copy(
                table_hbm.at[pl.ds(0, CB)], rows_v.at[b], gsem[b]
            ).wait()

        def wait_out(b):
            pltpu.make_async_copy(
                rows_v.at[b], out_hbm.at[0].at[pl.ds(s0, CB)], osem[b]
            ).wait()

        for t in range(NBUF):
            start_gather(t, t)
            if t >= LAG:
                wait_gather(t - LAG)
                start_out(t - LAG, t - LAG)

        def outer(j0, carry):
            for u in range(NBUF):
                t = j0 + u
                b = u
                b2 = (u - LAG) % NBUF
                wait_out(b)
                start_gather(t, b)
                wait_gather(b2)
                start_out(t - LAG, b2)
            return carry

        n_outer = (nch - NBUF) // NBUF
        lax.fori_loop(0, n_outer, lambda i, c: outer(NBUF + i * NBUF, c),
                      0, unroll=False)
        for t in range(NBUF + n_outer * NBUF, nch):
            b = t % NBUF
            b2 = (t - LAG) % NBUF
            wait_out(b)
            start_gather(t, b)
            wait_gather(b2)
            start_out(t - LAG, b2)

        for t in range(nch - LAG, nch):
            b = t % NBUF
            wait_gather(b)
            start_out(t, b)
        for b in range(NBUF):
            wait_out(b)

    return gather_kernel


def kernel(weight, inputs):
    S, T = inputs.shape
    idx_t = jnp.transpose(inputs).astype(jnp.int32)
    out_t = _make_gather(S, T)(weight, idx_t)
    return jnp.transpose(out_t, (1, 0, 2))

# --- scband reference (transcript-rebuilt; emitter-appended) ---
"""Pipeline reference for scband-tftransfo-embeddings-55327768707950 (READ-ONLY COPY).

The authoritative reference and input builder live on the scoring server;
editing this copy changes nothing except your own understanding.
"""

import jax, jax.numpy as jnp
import numpy as np

VOCAB_SIZE = 100000
EMB_SIZE = 128
INIT_STD = 0.02


def setup_inputs(seed: int = 0) -> dict:
    key = jax.random.key(seed)
    k_idx, k_w = jax.random.split(key)
    inputs = jax.random.randint(k_idx, (4096, 50), 0, VOCAB_SIZE, dtype=jnp.int64 if jax.config.jax_enable_x64 else jnp.int32)
    weight = jax.random.normal(k_w, (VOCAB_SIZE, EMB_SIZE), dtype=jnp.float32) * INIT_STD
    return {"weight": weight, "inputs": inputs}


def reference(weight, inputs):
    # tf.gather(self.weight, inputs) -> gather rows of embedding table
    return jnp.take(weight, inputs, axis=0)

if __name__ == "__main__":
    import jax
    _d = setup_inputs()
    print(jax.jit(kernel)(*tuple(_d.values())))

</pallas_src>

<mosaic_0001>
#map = affine_map<(d0, d1) -> (0, 0)>
#map1 = affine_map<(d0, d1) -> (0, 0, 0)>
module attributes {stable_mosaic.version = 14 : i64} {
  func.func @gather_kernel(%arg0: i32, %arg1: i32, %arg2: memref<100000x128xf32, #tpu.memory_space<hbm>>, %arg3: memref<50x4096xi32, #tpu.memory_space<hbm>>, %arg4: memref<50x4096x128xf32, #tpu.memory_space<hbm>>, %arg5: memref<50x128xi32, #tpu.memory_space<vmem>>, %arg6: memref<6x128x128xf32, #tpu.memory_space<vmem>>, %arg7: memref<!tpu.dma_semaphore, #tpu.memory_space<semaphore_mem>>, %arg8: memref<!tpu.dma_semaphore, #tpu.memory_space<semaphore_mem>>, %arg9: memref<!tpu.dma_semaphore, #tpu.memory_space<semaphore_mem>>, %arg10: memref<!tpu.dma_semaphore, #tpu.memory_space<semaphore_mem>>, %arg11: memref<!tpu.dma_semaphore, #tpu.memory_space<semaphore_mem>>, %arg12: memref<!tpu.dma_semaphore, #tpu.memory_space<semaphore_mem>>, %arg13: memref<!tpu.dma_semaphore, #tpu.memory_space<semaphore_mem>>, %arg14: memref<!tpu.dma_semaphore, #tpu.memory_space<semaphore_mem>>, %arg15: memref<!tpu.dma_semaphore, #tpu.memory_space<semaphore_mem>>, %arg16: memref<!tpu.dma_semaphore, #tpu.memory_space<semaphore_mem>>, %arg17: memref<!tpu.dma_semaphore, #tpu.memory_space<semaphore_mem>>, %arg18: memref<!tpu.dma_semaphore, #tpu.memory_space<semaphore_mem>>) attributes {dimension_semantics = [#tpu.dimension_semantics<core_parallel>, #tpu.dimension_semantics<subcore_parallel>], iteration_bounds = array<i64: 2, 16>, scalar_prefetch = 0 : i64, scratch_operands = 14 : i64, tpu.core_type = #tpu.core_type<sc_vector_subcore>, window_params = [{transform_indices = #map}, {transform_indices = #map}, {transform_indices = #map1}]} {
    %mul3A = arith.constant 2 : i32
    %mul3A_0 = arith.muli %arg1, %mul3A : i32
    %add3A = arith.addi %mul3A_0, %arg0 : i32
    %mul3A_1 = arith.constant 128 : i32
    %mul3A_2 = arith.muli %add3A, %mul3A_1 : i32
    "tpu.region"() ({
      %run_scoped3A = tpu.sem_alloc : memref<!tpu.dma_semaphore, #tpu.memory_space<semaphore_mem>>
      %dma_start3A_574 = arith.constant 0 : i32
      %dma_start3A_575 = tpu.memref_slice %arg3[%dma_start3A_574, %mul3A_2] : memref<50x4096xi32, #tpu.memory_space<hbm>> -> memref<50x128xi32, #tpu.memory_space<hbm>>
      %dma_start3A_576 = arith.constant 0 : i32
      %dma_start3A_577 = tpu.memref_slice %arg3[%dma_start3A_576, %mul3A_2] : memref<50x4096xi32, #tpu.memory_space<hbm>> -> memref<50x128xi32, #tpu.memory_space<hbm>>
      tpu.enqueue_dma source(%dma_start3A_577 : memref<50x128xi32, #tpu.memory_space<hbm>>) target(%arg5 : memref<50x128xi32, #tpu.memory_space<vmem>>) target_semaphore(%run_scoped3A : memref<!tpu.dma_semaphore, #tpu.memory_space<semaphore_mem>>)
      %dma_wait3A_578 = arith.constant 0 : i32
      %dma_wait3A_579 = tpu.memref_slice %arg3[%dma_wait3A_578, %mul3A_2] : memref<50x4096xi32, #tpu.memory_space<hbm>> -> memref<50x128xi32, #tpu.memory_space<hbm>>
      %dma_wait3A_580 = arith.constant 0 : i32
      %dma_wait3A_581 = tpu.memref_slice %arg3[%dma_wait3A_580, %mul3A_2] : memref<50x4096xi32, #tpu.memory_space<hbm>> -> memref<50x128xi32, #tpu.memory_space<hbm>>
      tpu.wait_dma2 semaphore(%run_scoped3A : memref<!tpu.dma_semaphore, #tpu.memory_space<semaphore_mem>>) src(%dma_wait3A_581 : memref<50x128xi32, #tpu.memory_space<hbm>>) dst(%arg5 : memref<50x128xi32, #tpu.memory_space<vmem>>)
      tpu.yield
    }) : () -> ()
    %dma_start3A = arith.constant 0 : i32
    %dma_start3A_3 = arith.constant 0 : i32
    %dma_start3A_4 = arith.constant 0 : i32
    %dma_start3A_5 = arith.constant 0 : i32
    %dma_start3A_6 = tpu.memref_slice %arg6[%dma_start3A_3, %dma_start3A_4, %dma_start3A_5] : memref<6x128x128xf32, #tpu.memory_space<vmem>> -> memref<1x128x128xf32, #tpu.memory_space<vmem>>
    %dma_start3A_7 = tpu.memref_squeeze %dma_start3A_6 : memref<1x128x128xf32, #tpu.memory_space<vmem>> -> memref<128x128xf32, #tpu.memory_space<vmem>>
    %dma_start3A_8 = arith.constant 0 : i32
    %dma_start3A_9 = tpu.memref_slice %arg5[%dma_start3A, %dma_start3A_8] : memref<50x128xi32, #tpu.memory_space<vmem>> -> memref<1x128xi32, #tpu.memory_space<vmem>>
    %dma_start3A_10 = tpu.memref_squeeze %dma_start3A_9 : memref<1x128xi32, #tpu.memory_space<vmem>> -> memref<128xi32, #tpu.memory_space<vmem>>
    %dma_start3A_11 = arith.constant 0 : i32
    %dma_start3A_12 = arith.constant 0 : i32
    %dma_start3A_13 = tpu.memref_slice %arg2[%dma_start3A_11, %dma_start3A_12] : memref<100000x128xf32, #tpu.memory_space<hbm>> -> memref<100000x128xf32, #tpu.memory_space<hbm>>
    tpu.enqueue_indirect_dma source(%dma_start3A_13 : memref<100000x128xf32, #tpu.memory_space<hbm>>) target(%dma_start3A_7 : memref<128x128xf32, #tpu.memory_space<vmem>>) offsets(%dma_start3A_10 : memref<128xi32, #tpu.memory_space<vmem>>) semaphore(%arg7 : memref<!tpu.dma_semaphore, #tpu.memory_space<semaphore_mem>>)
    %dma_start3A_14 = arith.constant 1 : i32
    %dma_start3A_15 = arith.constant 1 : i32
    %dma_start3A_16 = arith.constant 0 : i32
    %dma_start3A_17 = arith.constant 0 : i32
    %dma_start3A_18 = tpu.memref_slice %arg6[%dma_start3A_15, %dma_start3A_16, %dma_start3A_17] : memref<6x128x128xf32, #tpu.memory_space<vmem>> -> memref<1x128x128xf32, #tpu.memory_space<vmem>>
    %dma_start3A_19 = tpu.memref_squeeze %dma_start3A_18 : memref<1x128x128xf32, #tpu.memory_space<vmem>> -> memref<128x128xf32, #tpu.memory_space<vmem>>
    %dma_start3A_20 = arith.constant 0 : i32
    %dma_start3A_21 = tpu.memref_slice %arg5[%dma_start3A_14, %dma_start3A_20] : memref<50x128xi32, #tpu.memory_space<vmem>> -> memref<1x128xi32, #tpu.memory_space<vmem>>
    %dma_start3A_22 = tpu.memref_squeeze %dma_start3A_21 : memref<1x128xi32, #tpu.memory_space<vmem>> -> memref<128xi32, #tpu.memory_space<vmem>>
    %dma_start3A_23 = arith.constant 0 : i32
    %dma_start3A_24 = arith.constant 0 : i32
    %dma_start3A_25 = tpu.memref_slice %arg2[%dma_start3A_23, %dma_start3A_24] : memref<100000x128xf32, #tpu.memory_space<hbm>> -> memref<100000x128xf32, #tpu.memory_space<hbm>>
    tpu.enqueue_indirect_dma source(%dma_start3A_25 : memref<100000x128xf32, #tpu.memory_space<hbm>>) target(%dma_start3A_19 : memref<128x128xf32, #tpu.memory_space<vmem>>) offsets(%dma_start3A_22 : memref<128xi32, #tpu.memory_space<vmem>>) semaphore(%arg8 : memref<!tpu.dma_semaphore, #tpu.memory_space<semaphore_mem>>)
    %dma_start3A_26 = arith.constant 2 : i32
    %dma_start3A_27 = arith.constant 2 : i32
    %dma_start3A_28 = arith.constant 0 : i32
    %dma_start3A_29 = arith.constant 0 : i32
    %dma_start3A_30 = tpu.memref_slice %arg6[%dma_start3A_27, %dma_start3A_28, %dma_start3A_29] : memref<6x128x128xf32, #tpu.memory_space<vmem>> -> memref<1x128x128xf32, #tpu.memory_space<vmem>>
    %dma_start3A_31 = tpu.memref_squeeze %dma_start3A_30 : memref<1x128x128xf32, #tpu.memory_space<vmem>> -> memref<128x128xf32, #tpu.memory_space<vmem>>
    %dma_start3A_32 = arith.constant 0 : i32
    %dma_start3A_33 = tpu.memref_slice %arg5[%dma_start3A_26, %dma_start3A_32] : memref<50x128xi32, #tpu.memory_space<vmem>> -> memref<1x128xi32, #tpu.memory_space<vmem>>
    %dma_start3A_34 = tpu.memref_squeeze %dma_start3A_33 : memref<1x128xi32, #tpu.memory_space<vmem>> -> memref<128xi32, #tpu.memory_space<vmem>>
    %dma_start3A_35 = arith.constant 0 : i32
    %dma_start3A_36 = arith.constant 0 : i32
    %dma_start3A_37 = tpu.memref_slice %arg2[%dma_start3A_35, %dma_start3A_36] : memref<100000x128xf32, #tpu.memory_space<hbm>> -> memref<100000x128xf32, #tpu.memory_space<hbm>>
    tpu.enqueue_indirect_dma source(%dma_start3A_37 : memref<100000x128xf32, #tpu.memory_space<hbm>>) target(%dma_start3A_31 : memref<128x128xf32, #tpu.memory_space<vmem>>) offsets(%dma_start3A_34 : memref<128xi32, #tpu.memory_space<vmem>>) semaphore(%arg9 : memref<!tpu.dma_semaphore, #tpu.memory_space<semaphore_mem>>)
    %dma_start3A_38 = arith.constant 3 : i32
    %dma_start3A_39 = arith.constant 3 : i32
    %dma_start3A_40 = arith.constant 0 : i32
    %dma_start3A_41 = arith.constant 0 : i32
    %dma_start3A_42 = tpu.memref_slice %arg6[%dma_start3A_39, %dma_start3A_40, %dma_start3A_41] : memref<6x128x128xf32, #tpu.memory_space<vmem>> -> memref<1x128x128xf32, #tpu.memory_space<vmem>>
    %dma_start3A_43 = tpu.memref_squeeze %dma_start3A_42 : memref<1x128x128xf32, #tpu.memory_space<vmem>> -> memref<128x128xf32, #tpu.memory_space<vmem>>
    %dma_start3A_44 = arith.constant 0 : i32
    %dma_start3A_45 = tpu.memref_slice %arg5[%dma_start3A_38, %dma_start3A_44] : memref<50x128xi32, #tpu.memory_space<vmem>> -> memref<1x128xi32, #tpu.memory_space<vmem>>
    %dma_start3A_46 = tpu.memref_squeeze %dma_start3A_45 : memref<1x128xi32, #tpu.memory_space<vmem>> -> memref<128xi32, #tpu.memory_space<vmem>>
    %dma_start3A_47 = arith.constant 0 : i32
    %dma_start3A_48 = arith.constant 0 : i32
    %dma_start3A_49 = tpu.memref_slice %arg2[%dma_start3A_47, %dma_start3A_48] : memref<100000x128xf32, #tpu.memory_space<hbm>> -> memref<100000x128xf32, #tpu.memory_space<hbm>>
    tpu.enqueue_indirect_dma source(%dma_start3A_49 : memref<100000x128xf32, #tpu.memory_space<hbm>>) target(%dma_start3A_43 : memref<128x128xf32, #tpu.memory_space<vmem>>) offsets(%dma_start3A_46 : memref<128xi32, #tpu.memory_space<vmem>>) semaphore(%arg10 : memref<!tpu.dma_semaphore, #tpu.memory_space<semaphore_mem>>)
    %dma_start3A_50 = arith.constant 4 : i32
    %dma_start3A_51 = arith.constant 4 : i32
    %dma_start3A_52 = arith.constant 0 : i32
    %dma_start3A_53 = arith.constant 0 : i32
    %dma_start3A_54 = tpu.memref_slice %arg6[%dma_start3A_51, %dma_start3A_52, %dma_start3A_53] : memref<6x128x128xf32, #tpu.memory_space<vmem>> -> memref<1x128x128xf32, #tpu.memory_space<vmem>>
    %dma_start3A_55 = tpu.memref_squeeze %dma_start3A_54 : memref<1x128x128xf32, #tpu.memory_space<vmem>> -> memref<128x128xf32, #tpu.memory_space<vmem>>
    %dma_start3A_56 = arith.constant 0 : i32
    %dma_start3A_57 = tpu.memref_slice %arg5[%dma_start3A_50, %dma_start3A_56] : memref<50x128xi32, #tpu.memory_space<vmem>> -> memref<1x128xi32, #tpu.memory_space<vmem>>
    %dma_start3A_58 = tpu.memref_squeeze %dma_start3A_57 : memref<1x128xi32, #tpu.memory_space<vmem>> -> memref<128xi32, #tpu.memory_space<vmem>>
    %dma_start3A_59 = arith.constant 0 : i32
    %dma_start3A_60 = arith.constant 0 : i32
    %dma_start3A_61 = tpu.memref_slice %arg2[%dma_start3A_59, %dma_start3A_60] : memref<100000x128xf32, #tpu.memory_space<hbm>> -> memref<100000x128xf32, #tpu.memory_space<hbm>>
    tpu.enqueue_indirect_dma source(%dma_start3A_61 : memref<100000x128xf32, #tpu.memory_space<hbm>>) target(%dma_start3A_55 : memref<128x128xf32, #tpu.memory_space<vmem>>) offsets(%dma_start3A_58 : memref<128xi32, #tpu.memory_space<vmem>>) semaphore(%arg11 : memref<!tpu.dma_semaphore, #tpu.memory_space<semaphore_mem>>)
    %dma_start3A_62 = arith.constant 5 : i32
    %dma_start3A_63 = arith.constant 5 : i32
    %dma_start3A_64 = arith.constant 0 : i32
    %dma_start3A_65 = arith.constant 0 : i32
    %dma_start3A_66 = tpu.memref_slice %arg6[%dma_start3A_63, %dma_start3A_64, %dma_start3A_65] : memref<6x128x128xf32, #tpu.memory_space<vmem>> -> memref<1x128x128xf32, #tpu.memory_space<vmem>>
    %dma_start3A_67 = tpu.memref_squeeze %dma_start3A_66 : memref<1x128x128xf32, #tpu.memory_space<vmem>> -> memref<128x128xf32, #tpu.memory_space<vmem>>
    %dma_start3A_68 = arith.constant 0 : i32
    %dma_start3A_69 = tpu.memref_slice %arg5[%dma_start3A_62, %dma_start3A_68] : memref<50x128xi32, #tpu.memory_space<vmem>> -> memref<1x128xi32, #tpu.memory_space<vmem>>
    %dma_start3A_70 = tpu.memref_squeeze %dma_start3A_69 : memref<1x128xi32, #tpu.memory_space<vmem>> -> memref<128xi32, #tpu.memory_space<vmem>>
    %dma_start3A_71 = arith.constant 0 : i32
    %dma_start3A_72 = arith.constant 0 : i32
    %dma_start3A_73 = tpu.memref_slice %arg2[%dma_start3A_71, %dma_start3A_72] : memref<100000x128xf32, #tpu.memory_space<hbm>> -> memref<100000x128xf32, #tpu.memory_space<hbm>>
    tpu.enqueue_indirect_dma source(%dma_start3A_73 : memref<100000x128xf32, #tpu.memory_space<hbm>>) target(%dma_start3A_67 : memref<128x128xf32, #tpu.memory_space<vmem>>) offsets(%dma_start3A_70 : memref<128xi32, #tpu.memory_space<vmem>>) semaphore(%arg12 : memref<!tpu.dma_semaphore, #tpu.memory_space<semaphore_mem>>)
    %dma_wait3A = arith.constant 0 : i32
    %dma_wait3A_74 = arith.constant 0 : i32
    %dma_wait3A_75 = arith.constant 0 : i32
    %dma_wait3A_76 = tpu.memref_slice %arg6[%dma_wait3A, %dma_wait3A_74, %dma_wait3A_75] : memref<6x128x128xf32, #tpu.memory_space<vmem>> -> memref<1x128x128xf32, #tpu.memory_space<vmem>>
    %dma_wait3A_77 = tpu.memref_squeeze %dma_wait3A_76 : memref<1x128x128xf32, #tpu.memory_space<vmem>> -> memref<128x128xf32, #tpu.memory_space<vmem>>
    %dma_wait3A_78 = arith.constant 0 : i32
    %dma_wait3A_79 = arith.constant 0 : i32
    %dma_wait3A_80 = tpu.memref_slice %arg2[%dma_wait3A_78, %dma_wait3A_79] : memref<100000x128xf32, #tpu.memory_space<hbm>> -> memref<128x128xf32, #tpu.memory_space<hbm>>
    %dma_wait3A_81 = arith.constant 0 : i32
    %dma_wait3A_82 = arith.constant 0 : i32
    %dma_wait3A_83 = tpu.memref_slice %arg6[%dma_wait3A, %dma_wait3A_81, %dma_wait3A_82] : memref<6x128x128xf32, #tpu.memory_space<vmem>> -> memref<1x128x128xf32, #tpu.memory_space<vmem>>
    %dma_wait3A_84 = tpu.memref_squeeze %dma_wait3A_83 : memref<1x128x128xf32, #tpu.memory_space<vmem>> -> memref<128x128xf32, #tpu.memory_space<vmem>>
    %dma_wait3A_85 = arith.constant 0 : i32
    %dma_wait3A_86 = arith.constant 0 : i32
    %dma_wait3A_87 = tpu.memref_slice %arg2[%dma_wait3A_85, %dma_wait3A_86] : memref<100000x128xf32, #tpu.memory_space<hbm>> -> memref<128x128xf32, #tpu.memory_space<hbm>>
    tpu.wait_dma2 semaphore(%arg7 : memref<!tpu.dma_semaphore, #tpu.memory_space<semaphore_mem>>) src(%dma_wait3A_87 : memref<128x128xf32, #tpu.memory_space<hbm>>) dst(%dma_wait3A_84 : memref<128x128xf32, #tpu.memory_space<vmem>>)
    %dma_start3A_88 = arith.constant 0 : i32
    %dma_start3A_89 = arith.constant 0 : i32
    %dma_start3A_90 = arith.constant 0 : i32
    %dma_start3A_91 = arith.constant 0 : i32
    %dma_start3A_92 = tpu.memref_slice %arg6[%dma_start3A_88, %dma_start3A_90, %dma_start3A_91] : memref<6x128x128xf32, #tpu.memory_space<vmem>> -> memref<1x128x128xf32, #tpu.memory_space<vmem>>
    %dma_start3A_93 = tpu.memref_squeeze %dma_start3A_92 : memref<1x128x128xf32, #tpu.memory_space<vmem>> -> memref<128x128xf32, #tpu.memory_space<vmem>>
    %dma_start3A_94 = arith.constant 0 : i32
    %dma_start3A_95 = arith.constant 0 : i32
    %dma_start3A_96 = tpu.memref_slice %arg4[%dma_start3A_89, %dma_start3A_94, %dma_start3A_95] : memref<50x4096x128xf32, #tpu.memory_space<hbm>> -> memref<1x4096x128xf32, #tpu.memory_space<hbm>>
    %dma_start3A_97 = tpu.memref_squeeze %dma_start3A_96 : memref<1x4096x128xf32, #tpu.memory_space<hbm>> -> memref<4096x128xf32, #tpu.memory_space<hbm>>
    %dma_start3A_98 = arith.constant 0 : i32
    %dma_start3A_99 = tpu.memref_slice %dma_start3A_97[%mul3A_2, %dma_start3A_98] : memref<4096x128xf32, #tpu.memory_space<hbm>> -> memref<128x128xf32, #tpu.memory_space<hbm>>
    %dma_start3A_100 = arith.constant 0 : i32
    %dma_start3A_101 = arith.constant 0 : i32
    %dma_start3A_102 = tpu.memref_slice %arg4[%dma_start3A_89, %dma_start3A_100, %dma_start3A_101] : memref<50x4096x128xf32, #tpu.memory_space<hbm>> -> memref<1x4096x128xf32, #tpu.memory_space<hbm>>
    %dma_start3A_103 = tpu.memref_squeeze %dma_start3A_102 : memref<1x4096x128xf32, #tpu.memory_space<hbm>> -> memref<4096x128xf32, #tpu.memory_space<hbm>>
    %dma_start3A_104 = arith.constant 0 : i32
    %dma_start3A_105 = tpu.memref_slice %dma_start3A_103[%mul3A_2, %dma_start3A_104] : memref<4096x128xf32, #tpu.memory_space<hbm>> -> memref<128x128xf32, #tpu.memory_space<hbm>>
    %dma_start3A_106 = arith.constant 0 : i32
    %dma_start3A_107 = arith.constant 0 : i32
    %dma_start3A_108 = tpu.memref_slice %arg6[%dma_start3A_88, %dma_start3A_106, %dma_start3A_107] : memref<6x128x128xf32, #tpu.memory_space<vmem>> -> memref<1x128x128xf32, #tpu.memory_space<vmem>>
    %dma_start3A_109 = tpu.memref_squeeze %dma_start3A_108 : memref<1x128x128xf32, #tpu.memory_space<vmem>> -> memref<128x128xf32, #tpu.memory_space<vmem>>
    tpu.enqueue_dma source(%dma_start3A_109 : memref<128x128xf32, #tpu.memory_space<vmem>>) target(%dma_start3A_105 : memref<128x128xf32, #tpu.memory_space<hbm>>) target_semaphore(%arg13 : memref<!tpu.dma_semaphore, #tpu.memory_space<semaphore_mem>>)
    %scan3A = arith.constant 0 : i32
    %scan3A_110 = arith.constant 0 : i32
    %scan3A_111 = arith.constant 7 : i32
    %scan3A_112 = arith.addi %scan3A_110, %scan3A_111 : i32
    %scan3A_113 = arith.constant 1 : i32
    scf.for %scan3A_574 = %scan3A_110 to %scan3A_112 step %scan3A_113  : i32 {
      %mul3A_575 = arith.constant 6 : i32
      %mul3A_576 = arith.muli %scan3A_574, %mul3A_575 : i32
      %add3A_577 = arith.constant 6 : i32
      %add3A_578 = arith.addi %add3A_577, %mul3A_576 : i32
      %add3A_579 = arith.constant 0 : i32
      %add3A_580 = arith.addi %add3A_578, %add3A_579 : i32
      %dma_wait3A_581 = arith.constant 0 : i32
      %dma_wait3A_582 = arith.constant 0 : i32
      %dma_wait3A_583 = arith.constant 0 : i32
      %dma_wait3A_584 = arith.constant 0 : i32
      %dma_wait3A_585 = tpu.memref_slice %arg6[%dma_wait3A_581, %dma_wait3A_583, %dma_wait3A_584] : memref<6x128x128xf32, #tpu.memory_space<vmem>> -> memref<1x128x128xf32, #tpu.memory_space<vmem>>
      %dma_wait3A_586 = tpu.memref_squeeze %dma_wait3A_585 : memref<1x128x128xf32, #tpu.memory_space<vmem>> -> memref<128x128xf32, #tpu.memory_space<vmem>>
      %dma_wait3A_587 = arith.constant 0 : i32
      %dma_wait3A_588 = arith.constant 0 : i32
      %dma_wait3A_589 = tpu.memref_slice %arg4[%dma_wait3A_582, %dma_wait3A_587, %dma_wait3A_588] : memref<50x4096x128xf32, #tpu.memory_space<hbm>> -> memref<1x4096x128xf32, #tpu.memory_space<hbm>>
      %dma_wait3A_590 = tpu.memref_squeeze %dma_wait3A_589 : memref<1x4096x128xf32, #tpu.memory_space<hbm>> -> memref<4096x128xf32, #tpu.memory_space<hbm>>
      %dma_wait3A_591 = arith.constant 0 : i32
      %dma_wait3A_592 = tpu.memref_slice %dma_wait3A_590[%mul3A_2, %dma_wait3A_591] : memref<4096x128xf32, #tpu.memory_space<hbm>> -> memref<128x128xf32, #tpu.memory_space<hbm>>
      %dma_wait3A_593 = arith.constant 0 : i32
      %dma_wait3A_594 = arith.constant 0 : i32
      %dma_wait3A_595 = tpu.memref_slice %arg4[%dma_wait3A_582, %dma_wait3A_593, %dma_wait3A_594] : memref<50x4096x128xf32, #tpu.memory_space<hbm>> -> memref<1x4096x128xf32, #tpu.memory_space<hbm>>
      %dma_wait3A_596 = tpu.memref_squeeze %dma_wait3A_595 : memref<1x4096x128xf32, #tpu.memory_space<hbm>> -> memref<4096x128xf32, #tpu.memory_space<hbm>>
      %dma_wait3A_597 = arith.constant 0 : i32
      %dma_wait3A_598 = tpu.memref_slice %dma_wait3A_596[%mul3A_2, %dma_wait3A_597] : memref<4096x128xf32, #tpu.memory_space<hbm>> -> memref<128x128xf32, #tpu.memory_space<hbm>>
      %dma_wait3A_599 = arith.constant 0 : i32
      %dma_wait3A_600 = arith.constant 0 : i32
      %dma_wait3A_601 = tpu.memref_slice %arg6[%dma_wait3A_581, %dma_wait3A_599, %dma_wait3A_600] : memref<6x128x128xf32, #tpu.memory_space<vmem>> -> memref<1x128x128xf32, #tpu.memory_space<vmem>>
      %dma_wait3A_602 = tpu.memref_squeeze %dma_wait3A_601 : memref<1x128x128xf32, #tpu.memory_space<vmem>> -> memref<128x128xf32, #tpu.memory_space<vmem>>
      tpu.wait_dma2 semaphore(%arg13 : memref<!tpu.dma_semaphore, #tpu.memory_space<semaphore_mem>>) src(%dma_wait3A_602 : memref<128x128xf32, #tpu.memory_space<vmem>>) dst(%dma_wait3A_598 : memref<128x128xf32, #tpu.memory_space<hbm>>)
      %dma_start3A_603 = arith.constant 0 : i32
      %dma_start3A_604 = arith.constant 0 : i32
      %dma_start3A_605 = arith.constant 0 : i32
      %dma_start3A_606 = tpu.memref_slice %arg6[%dma_start3A_603, %dma_start3A_604, %dma_start3A_605] : memref<6x128x128xf32, #tpu.memory_space<vmem>> -> memref<1x128x128xf32, #tpu.memory_space<vmem>>
      %dma_start3A_607 = tpu.memref_squeeze %dma_start3A_606 : memref<1x128x128xf32, #tpu.memory_space<vmem>> -> memref<128x128xf32, #tpu.memory_space<vmem>>
      %dma_start3A_608 = arith.constant 0 : i32
      %dma_start3A_609 = tpu.memref_slice %arg5[%add3A_580, %dma_start3A_608] : memref<50x128xi32, #tpu.memory_space<vmem>> -> memref<1x128xi32, #tpu.memory_space<vmem>>
      %dma_start3A_610 = tpu.memref_squeeze %dma_start3A_609 : memref<1x128xi32, #tpu.memory_space<vmem>> -> memref<128xi32, #tpu.memory_space<vmem>>
      %dma_start3A_611 = arith.constant 0 : i32
      %dma_start3A_612 = arith.constant 0 : i32
      %dma_start3A_613 = tpu.memref_slice %arg2[%dma_start3A_611, %dma_start3A_612] : memref<100000x128xf32, #tpu.memory_space<hbm>> -> memref<100000x128xf32, #tpu.memory_space<hbm>>
      tpu.enqueue_indirect_dma source(%dma_start3A_613 : memref<100000x128xf32, #tpu.memory_space<hbm>>) target(%dma_start3A_607 : memref<128x128xf32, #tpu.memory_space<vmem>>) offsets(%dma_start3A_610 : memref<128xi32, #tpu.memory_space<vmem>>) semaphore(%arg7 : memref<!tpu.dma_semaphore, #tpu.memory_space<semaphore_mem>>)
      %dma_wait3A_614 = arith.constant 1 : i32
      %dma_wait3A_615 = arith.constant 0 : i32
      %dma_wait3A_616 = arith.constant 0 : i32
      %dma_wait3A_617 = tpu.memref_slice %arg6[%dma_wait3A_614, %dma_wait3A_615, %dma_wait3A_616] : memref<6x128x128xf32, #tpu.memory_space<vmem>> -> memref<1x128x128xf32, #tpu.memory_space<vmem>>
      %dma_wait3A_618 = tpu.memref_squeeze %dma_wait3A_617 : memref<1x128x128xf32, #tpu.memory_space<vmem>> -> memref<128x128xf32, #tpu.memory_space<vmem>>
      %dma_wait3A_619 = arith.constant 0 : i32
      %dma_wait3A_620 = arith.constant 0 : i32
      %dma_wait3A_621 = tpu.memref_slice %arg2[%dma_wait3A_619, %dma_wait3A_620] : memref<100000x128xf32, #tpu.memory_space<hbm>> -> memref<128x128xf32, #tpu.memory_space<hbm>>
      %dma_wait3A_622 = arith.constant 0 : i32
      %dma_wait3A_623 = arith.constant 0 : i32
      %dma_wait3A_624 = tpu.memref_slice %arg6[%dma_wait3A_614, %dma_wait3A_622, %dma_wait3A_623] : memref<6x128x128xf32, #tpu.memory_space<vmem>> -> memref<1x128x128xf32, #tpu.memory_space<vmem>>
      %dma_wait3A_625 = tpu.memref_squeeze %dma_wait3A_624 : memref<1x128x128xf32, #tpu.memory_space<vmem>> -> memref<128x128xf32, #tpu.memory_space<vmem>>
      %dma_wait3A_626 = arith.constant 0 : i32
      %dma_wait3A_627 = arith.constant 0 : i32
      %dma_wait3A_628 = tpu.memref_slice %arg2[%dma_wait3A_626, %dma_wait3A_627] : memref<100000x128xf32, #tpu.memory_space<hbm>> -> memref<128x128xf32, #tpu.memory_space<hbm>>
      tpu.wait_dma2 semaphore(%arg8 : memref<!tpu.dma_semaphore, #tpu.memory_space<semaphore_mem>>) src(%dma_wait3A_628 : memref<128x128xf32, #tpu.memory_space<hbm>>) dst(%dma_wait3A_625 : memref<128x128xf32, #tpu.memory_space<vmem>>)
      %sub3A = arith.constant 5 : i32
      %sub3A_629 = arith.subi %add3A_580, %sub3A : i32
      %dma_start3A_630 = arith.constant 1 : i32
      %dma_start3A_631 = arith.constant 0 : i32
      %dma_start3A_632 = arith.constant 0 : i32
      %dma_start3A_633 = tpu.memref_slice %arg6[%dma_start3A_630, %dma_start3A_631, %dma_start3A_632] : memref<6x128x128xf32, #tpu.memory_space<vmem>> -> memref<1x128x128xf32, #tpu.memory_space<vmem>>
      %dma_start3A_634 = tpu.memref_squeeze %dma_start3A_633 : memref<1x128x128xf32, #tpu.memory_space<vmem>> -> memref<128x128xf32, #tpu.memory_space<vmem>>
      %dma_start3A_635 = arith.constant 0 : i32
      %dma_start3A_636 = arith.constant 0 : i32
      %dma_start3A_637 = tpu.memref_slice %arg4[%sub3A_629, %dma_start3A_635, %dma_start3A_636] : memref<50x4096x128xf32, #tpu.memory_space<hbm>> -> memref<1x4096x128xf32, #tpu.memory_space<hbm>>
      %dma_start3A_638 = tpu.memref_squeeze %dma_start3A_637 : memref<1x4096x128xf32, #tpu.memory_space<hbm>> -> memref<4096x128xf32, #tpu.memory_space<hbm>>
      %dma_start3A_639 = arith.constant 0 : i32
      %dma_start3A_640 = tpu.memref_slice %dma_start3A_638[%mul3A_2, %dma_start3A_639] : memref<4096x128xf32, #tpu.memory_space<hbm>> -> memref<128x128xf32, #tpu.memory_space<hbm>>
      %dma_start3A_641 = arith.constant 0 : i32
      %dma_start3A_642 = arith.constant 0 : i32
      %dma_start3A_643 = tpu.memref_slice %arg4[%sub3A_629, %dma_start3A_641, %dma_start3A_642] : memref<50x4096x128xf32, #tpu.memory_space<hbm>> -> memref<1x4096x128xf32, #tpu.memory_space<hbm>>
      %dma_start3A_644 = tpu.memref_squeeze %dma_start3A_643 : memref<1x4096x128xf32, #tpu.memory_space<hbm>> -> memref<4096x128xf32, #tpu.memory_space<hbm>>
      %dma_start3A_645 = arith.constant 0 : i32
      %dma_start3A_646 = tpu.memref_slice %dma_start3A_644[%mul3A_2, %dma_start3A_645] : memref<4096x128xf32, #tpu.memory_space<hbm>> -> memref<128x128xf32, #tpu.memory_space<hbm>>
      %dma_start3A_647 = arith.constant 0 : i32
      %dma_start3A_648 = arith.constant 0 : i32
      %dma_start3A_649 = tpu.memref_slice %arg6[%dma_start3A_630, %dma_start3A_647, %dma_start3A_648] : memref<6x128x128xf32, #tpu.memory_space<vmem>> -> memref<1x128x128xf32, #tpu.memory_space<vmem>>
      %dma_start3A_650 = tpu.memref_squeeze %dma_start3A_649 : memref<1x128x128xf32, #tpu.memory_space<vmem>> -> memref<128x128xf32, #tpu.memory_space<vmem>>
      tpu.enqueue_dma source(%dma_start3A_650 : memref<128x128xf32, #tpu.memory_space<vmem>>) target(%dma_start3A_646 : memref<128x128xf32, #tpu.memory_space<hbm>>) target_semaphore(%arg14 : memref<!tpu.dma_semaphore, #tpu.memory_space<semaphore_mem>>)
      %add3A_651 = arith.constant 1 : i32
      %add3A_652 = arith.addi %add3A_578, %add3A_651 : i32
      %dma_wait3A_653 = arith.constant 1 : i32
      %dma_wait3A_654 = arith.constant 0 : i32
      %dma_wait3A_655 = arith.constant 0 : i32
      %dma_wait3A_656 = arith.constant 0 : i32
      %dma_wait3A_657 = tpu.memref_slice %arg6[%dma_wait3A_653, %dma_wait3A_655, %dma_wait3A_656] : memref<6x128x128xf32, #tpu.memory_space<vmem>> -> memref<1x128x128xf32, #tpu.memory_space<vmem>>
      %dma_wait3A_658 = tpu.memref_squeeze %dma_wait3A_657 : memref<1x128x128xf32, #tpu.memory_space<vmem>> -> memref<128x128xf32, #tpu.memory_space<vmem>>
      %dma_wait3A_659 = arith.constant 0 : i32
      %dma_wait3A_660 = arith.constant 0 : i32
      %dma_wait3A_661 = tpu.memref_slice %arg4[%dma_wait3A_654, %dma_wait3A_659, %dma_wait3A_660] : memref<50x4096x128xf32, #tpu.memory_space<hbm>> -> memref<1x4096x128xf32, #tpu.memory_space<hbm>>
      %dma_wait3A_662 = tpu.memref_squeeze %dma_wait3A_661 : memref<1x4096x128xf32, #tpu.memory_space<hbm>> -> memref<4096x128xf32, #tpu.memory_space<hbm>>
      %dma_wait3A_663 = arith.constant 0 : i32
      %dma_wait3A_664 = tpu.memref_slice %dma_wait3A_662[%mul3A_2, %dma_wait3A_663] : memref<4096x128xf32, #tpu.memory_space<hbm>> -> memref<128x128xf32, #tpu.memory_space<hbm>>
      %dma_wait3A_665 = arith.constant 0 : i32
      %dma_wait3A_666 = arith.constant 0 : i32
      %dma_wait3A_667 = tpu.memref_slice %arg4[%dma_wait3A_654, %dma_wait3A_665, %dma_wait3A_666] : memref<50x4096x128xf32, #tpu.memory_space<hbm>> -> memref<1x4096x128xf32, #tpu.memory_space<hbm>>
      %dma_wait3A_668 = tpu.memref_squeeze %dma_wait3A_667 : memref<1x4096x128xf32, #tpu.memory_space<hbm>> -> memref<4096x128xf32, #tpu.memory_space<hbm>>
      %dma_wait3A_669 = arith.constant 0 : i32
      %dma_wait3A_670 = tpu.memref_slice %dma_wait3A_668[%mul3A_2, %dma_wait3A_669] : memref<4096x128xf32, #tpu.memory_space<hbm>> -> memref<128x128xf32, #tpu.memory_space<hbm>>
      %dma_wait3A_671 = arith.constant 0 : i32
      %dma_wait3A_672 = arith.constant 0 : i32
      %dma_wait3A_673 = tpu.memref_slice %arg6[%dma_wait3A_653, %dma_wait3A_671, %dma_wait3A_672] : memref<6x128x128xf32, #tpu.memory_space<vmem>> -> memref<1x128x128xf32, #tpu.memory_space<vmem>>
      %dma_wait3A_674 = tpu.memref_squeeze %dma_wait3A_673 : memref<1x128x128xf32, #tpu.memory_space<vmem>> -> memref<128x128xf32, #tpu.memory_space<vmem>>
      tpu.wait_dma2 semaphore(%arg14 : memref<!tpu.dma_semaphore, #tpu.memory_space<semaphore_mem>>) src(%dma_wait3A_674 : memref<128x128xf32, #tpu.memory_space<vmem>>) dst(%dma_wait3A_670 : memref<128x128xf32, #tpu.memory_space<hbm>>)
      %dma_start3A_675 = arith.constant 1 : i32
      %dma_start3A_676 = arith.constant 0 : i32
      %dma_start3A_677 = arith.constant 0 : i32
      %dma_start3A_678 = tpu.memref_slice %arg6[%dma_start3A_675, %dma_start3A_676, %dma_start3A_677] : memref<6x128x128xf32, #tpu.memory_space<vmem>> -> memref<1x128x128xf32, #tpu.memory_space<vmem>>
      %dma_start3A_679 = tpu.memref_squeeze %dma_start3A_678 : memref<1x128x128xf32, #tpu.memory_space<vmem>> -> memref<128x128xf32, #tpu.memory_space<vmem>>
      %dma_start3A_680 = arith.constant 0 : i32
      %dma_start3A_681 = tpu.memref_slice %arg5[%add3A_652, %dma_start3A_680] : memref<50x128xi32, #tpu.memory_space<vmem>> -> memref<1x128xi32, #tpu.memory_space<vmem>>
      %dma_start3A_682 = tpu.memref_squeeze %dma_start3A_681 : memref<1x128xi32, #tpu.memory_space<vmem>> -> memref<128xi32, #tpu.memory_space<vmem>>
      %dma_start3A_683 = arith.constant 0 : i32
      %dma_start3A_684 = arith.constant 0 : i32
      %dma_start3A_685 = tpu.memref_slice %arg2[%dma_start3A_683, %dma_start3A_684] : memref<100000x128xf32, #tpu.memory_space<hbm>> -> memref<100000x128xf32, #tpu.memory_space<hbm>>
      tpu.enqueue_indirect_dma source(%dma_start3A_685 : memref<100000x128xf32, #tpu.memory_space<hbm>>) target(%dma_start3A_679 : memref<128x128xf32, #tpu.memory_space<vmem>>) offsets(%dma_start3A_682 : memref<128xi32, #tpu.memory_space<vmem>>) semaphore(%arg8 : memref<!tpu.dma_semaphore, #tpu.memory_space<semaphore_mem>>)
      %dma_wait3A_686 = arith.constant 2 : i32
      %dma_wait3A_687 = arith.constant 0 : i32
      %dma_wait3A_688 = arith.constant 0 : i32
      %dma_wait3A_689 = tpu.memref_slice %arg6[%dma_wait3A_686, %dma_wait3A_687, %dma_wait3A_688] : memref<6x128x128xf32, #tpu.memory_space<vmem>> -> memref<1x128x128xf32, #tpu.memory_space<vmem>>
      %dma_wait3A_690 = tpu.memref_squeeze %dma_wait3A_689 : memref<1x128x128xf32, #tpu.memory_space<vmem>> -> memref<128x128xf32, #tpu.memory_space<vmem>>
      %dma_wait3A_691 = arith.constant 0 : i32
      %dma_wait3A_692 = arith.constant 0 : i32
      %dma_wait3A_693 = tpu.memref_slice %arg2[%dma_wait3A_691, %dma_wait3A_692] : memref<100000x128xf32, #tpu.memory_space<hbm>> -> memref<128x128xf32, #tpu.memory_space<hbm>>
      %dma_wait3A_694 = arith.constant 0 : i32
      %dma_wait3A_695 = arith.constant 0 : i32
      %dma_wait3A_696 = tpu.memref_slice %arg6[%dma_wait3A_686, %dma_wait3A_694, %dma_wait3A_695] : memref<6x128x128xf32, #tpu.memory_space<vmem>> -> memref<1x128x128xf32, #tpu.memory_space<vmem>>
      %dma_wait3A_697 = tpu.memref_squeeze %dma_wait3A_696 : memref<1x128x128xf32, #tpu.memory_space<vmem>> -> memref<128x128xf32, #tpu.memory_space<vmem>>
      %dma_wait3A_698 = arith.constant 0 : i32
      %dma_wait3A_699 = arith.constant 0 : i32
      %dma_wait3A_700 = tpu.memref_slice %arg2[%dma_wait3A_698, %dma_wait3A_699] : memref<100000x128xf32, #tpu.memory_space<hbm>> -> memref<128x128xf32, #tpu.memory_space<hbm>>
      tpu.wait_dma2 semaphore(%arg9 : memref<!tpu.dma_semaphore, #tpu.memory_space<semaphore_mem>>) src(%dma_wait3A_700 : memref<128x128xf32, #tpu.memory_space<hbm>>) dst(%dma_wait3A_697 : memref<128x128xf32, #tpu.memory_space<vmem>>)
      %sub3A_701 = arith.constant 5 : i32
      %sub3A_702 = arith.subi %add3A_652, %sub3A_701 : i32
      %dma_start3A_703 = arith.constant 2 : i32
      %dma_start3A_704 = arith.constant 0 : i32
      %dma_start3A_705 = arith.constant 0 : i32
      %dma_start3A_706 = tpu.memref_slice %arg6[%dma_start3A_703, %dma_start3A_704, %dma_start3A_705] : memref<6x128x128xf32, #tpu.memory_space<vmem>> -> memref<1x128x128xf32, #tpu.memory_space<vmem>>
      %dma_start3A_707 = tpu.memref_squeeze %dma_start3A_706 : memref<1x128x128xf32, #tpu.memory_space<vmem>> -> memref<128x128xf32, #tpu.memory_space<vmem>>
      %dma_start3A_708 = arith.constant 0 : i32
      %dma_start3A_709 = arith.constant 0 : i32
      %dma_start3A_710 = tpu.memref_slice %arg4[%sub3A_702, %dma_start3A_708, %dma_start3A_709] : memref<50x4096x128xf32, #tpu.memory_space<hbm>> -> memref<1x4096x128xf32, #tpu.memory_space<hbm>>
      %dma_start3A_711 = tpu.memref_squeeze %dma_start3A_710 : memref<1x4096x128xf32, #tpu.memory_space<hbm>> -> memref<4096x128xf32, #tpu.memory_space<hbm>>
      %dma_start3A_712 = arith.constant 0 : i32
      %dma_start3A_713 = tpu.memref_slice %dma_start3A_711[%mul3A_2, %dma_start3A_712] : memref<4096x128xf32, #tpu.memory_space<hbm>> -> memref<128x128xf32, #tpu.memory_space<hbm>>
      %dma_start3A_714 = arith.constant 0 : i32
      %dma_start3A_715 = arith.constant 0 : i32
      %dma_start3A_716 = tpu.memref_slice %arg4[%sub3A_702, %dma_start3A_714, %dma_start3A_715] : memref<50x4096x128xf32, #tpu.memory_space<hbm>> -> memref<1x4096x128xf32, #tpu.memory_space<hbm>>
      %dma_start3A_717 = tpu.memref_squeeze %dma_start3A_716 : memref<1x4096x128xf32, #tpu.memory_space<hbm>> -> memref<4096x128xf32, #tpu.memory_space<hbm>>
      %dma_start3A_718 = arith.constant 0 : i32
      %dma_start3A_719 = tpu.memref_slice %dma_start3A_717[%mul3A_2, %dma_start3A_718] : memref<4096x128xf32, #tpu.memory_space<hbm>> -> memref<128x128xf32, #tpu.memory_space<hbm>>
      %dma_start3A_720 = arith.constant 0 : i32
      %dma_start3A_721 = arith.constant 0 : i32
      %dma_start3A_722 = tpu.memref_slice %arg6[%dma_start3A_703, %dma_start3A_720, %dma_start3A_721] : memref<6x128x128xf32, #tpu.memory_space<vmem>> -> memref<1x128x128xf32, #tpu.memory_space<vmem>>
      %dma_start3A_723 = tpu.memref_squeeze %dma_start3A_722 : memref<1x128x128xf32, #tpu.memory_space<vmem>> -> memref<128x128xf32, #tpu.memory_space<vmem>>
      tpu.enqueue_dma source(%dma_start3A_723 : memref<128x128xf32, #tpu.memory_space<vmem>>) target(%dma_start3A_719 : memref<128x128xf32, #tpu.memory_space<hbm>>) target_semaphore(%arg15 : memref<!tpu.dma_semaphore, #tpu.memory_space<semaphore_mem>>)
      %add3A_724 = arith.constant 2 : i32
      %add3A_725 = arith.addi %add3A_578, %add3A_724 : i32
      %dma_wait3A_726 = arith.constant 2 : i32
      %dma_wait3A_727 = arith.constant 0 : i32
      %dma_wait3A_728 = arith.constant 0 : i32
      %dma_wait3A_729 = arith.constant 0 : i32
      %dma_wait3A_730 = tpu.memref_slice %arg6[%dma_wait3A_726, %dma_wait3A_728, %dma_wait3A_729] : memref<6x128x128xf32, #tpu.memory_space<vmem>> -> memref<1x128x128xf32, #tpu.memory_space<vmem>>
      %dma_wait3A_731 = tpu.memref_squeeze %dma_wait3A_730 : memref<1x128x128xf32, #tpu.memory_space<vmem>> -> memref<128x128xf32, #tpu.memory_space<vmem>>
      %dma_wait3A_732 = arith.constant 0 : i32
      %dma_wait3A_733 = arith.constant 0 : i32
      %dma_wait3A_734 = tpu.memref_slice %arg4[%dma_wait3A_727, %dma_wait3A_732, %dma_wait3A_733] : memref<50x4096x128xf32, #tpu.memory_space<hbm>> -> memref<1x4096x128xf32, #tpu.memory_space<hbm>>
      %dma_wait3A_735 = tpu.memref_squeeze %dma_wait3A_734 : memref<1x4096x128xf32, #tpu.memory_space<hbm>> -> memref<4096x128xf32, #tpu.memory_space<hbm>>
      %dma_wait3A_736 = arith.constant 0 : i32
      %dma_wait3A_737 = tpu.memref_slice %dma_wait3A_735[%mul3A_2, %dma_wait3A_736] : memref<4096x128xf32, #tpu.memory_space<hbm>> -> memref<128x128xf32, #tpu.memory_space<hbm>>
      %dma_wait3A_738 = arith.constant 0 : i32
      %dma_wait3A_739 = arith.constant 0 : i32
      %dma_wait3A_740 = tpu.memref_slice %arg4[%dma_wait3A_727, %dma_wait3A_738, %dma_wait3A_739] : memref<50x4096x128xf32, #tpu.memory_space<hbm>> -> memref<1x4096x128xf32, #tpu.memory_space<hbm>>
      %dma_wait3A_741 = tpu.memref_squeeze %dma_wait3A_740 : memref<1x4096x128xf32, #tpu.memory_space<hbm>> -> memref<4096x128xf32, #tpu.memory_space<hbm>>
      %dma_wait3A_742 = arith.constant 0 : i32
      %dma_wait3A_743 = tpu.memref_slice %dma_wait3A_741[%mul3A_2, %dma_wait3A_742] : memref<4096x128xf32, #tpu.memory_space<hbm>> -> memref<128x128xf32, #tpu.memory_space<hbm>>
      %dma_wait3A_744 = arith.constant 0 : i32
      %dma_wait3A_745 = arith.constant 0 : i32
      %dma_wait3A_746 = tpu.memref_slice %arg6[%dma_wait3A_726, %dma_wait3A_744, %dma_wait3A_745] : memref<6x128x128xf32, #tpu.memory_space<vmem>> -> memref<1x128x128xf32, #tpu.memory_space<vmem>>
      %dma_wait3A_747 = tpu.memref_squeeze %dma_wait3A_746 : memref<1x128x128xf32, #tpu.memory_space<vmem>> -> memref<128x128xf32, #tpu.memory_space<vmem>>
      tpu.wait_dma2 semaphore(%arg15 : memref<!tpu.dma_semaphore, #tpu.memory_space<semaphore_mem>>) src(%dma_wait3A_747 : memref<128x128xf32, #tpu.memory_space<vmem>>) dst(%dma_wait3A_743 : memref<128x128xf32, #tpu.memory_space<hbm>>)
      %dma_start3A_748 = arith.constant 2 : i32
      %dma_start3A_749 = arith.constant 0 : i32
      %dma_start3A_750 = arith.constant 0 : i32
      %dma_start3A_751 = tpu.memref_slice %arg6[%dma_start3A_748, %dma_start3A_749, %dma_start3A_750] : memref<6x128x128xf32, #tpu.memory_space<vmem>> -> memref<1x128x128xf32, #tpu.memory_space<vmem>>
      %dma_start3A_752 = tpu.memref_squeeze %dma_start3A_751 : memref<1x128x128xf32, #tpu.memory_space<vmem>> -> memref<128x128xf32, #tpu.memory_space<vmem>>
      %dma_start3A_753 = arith.constant 0 : i32
      %dma_start3A_754 = tpu.memref_slice %arg5[%add3A_725, %dma_start3A_753] : memref<50x128xi32, #tpu.memory_space<vmem>> -> memref<1x128xi32, #tpu.memory_space<vmem>>
      %dma_start3A_755 = tpu.memref_squeeze %dma_start3A_754 : memref<1x128xi32, #tpu.memory_space<vmem>> -> memref<128xi32, #tpu.memory_space<vmem>>
      %dma_start3A_756 = arith.constant 0 : i32
      %dma_start3A_757 = arith.constant 0 : i32
      %dma_start3A_758 = tpu.memref_slice %arg2[%dma_start3A_756, %dma_start3A_757] : memref<100000x128xf32, #tpu.memory_space<hbm>> -> memref<100000x128xf32, #tpu.memory_space<hbm>>
      tpu.enqueue_indirect_dma source(%dma_start3A_758 : memref<100000x128xf32, #tpu.memory_space<hbm>>) target(%dma_start3A_752 : memref<128x128xf32, #tpu.memory_space<vmem>>) offsets(%dma_start3A_755 : memref<128xi32, #tpu.memory_space<vmem>>) semaphore(%arg9 : memref<!tpu.dma_semaphore, #tpu.memory_space<semaphore_mem>>)
      %dma_wait3A_759 = arith.constant 3 : i32
      %dma_wait3A_760 = arith.constant 0 : i32
      %dma_wait3A_761 = arith.constant 0 : i32
      %dma_wait3A_762 = tpu.memref_slice %arg6[%dma_wait3A_759, %dma_wait3A_760, %dma_wait3A_761] : memref<6x128x128xf32, #tpu.memory_space<vmem>> -> memref<1x128x128xf32, #tpu.memory_space<vmem>>
      %dma_wait3A_763 = tpu.memref_squeeze %dma_wait3A_762 : memref<1x128x128xf32, #tpu.memory_space<vmem>> -> memref<128x128xf32, #tpu.memory_space<vmem>>
      %dma_wait3A_764 = arith.constant 0 : i32
      %dma_wait3A_765 = arith.constant 0 : i32
      %dma_wait3A_766 = tpu.memref_slice %arg2[%dma_wait3A_764, %dma_wait3A_765] : memref<100000x128xf32, #tpu.memory_space<hbm>> -> memref<128x128xf32, #tpu.memory_space<hbm>>
      %dma_wait3A_767 = arith.constant 0 : i32
      %dma_wait3A_768 = arith.constant 0 : i32
      %dma_wait3A_769 = tpu.memref_slice %arg6[%dma_wait3A_759, %dma_wait3A_767, %dma_wait3A_768] : memref<6x128x128xf32, #tpu.memory_space<vmem>> -> memref<1x128x128xf32, #tpu.memory_space<vmem>>
      %dma_wait3A_770 = tpu.memref_squeeze %dma_wait3A_769 : memref<1x128x128xf32, #tpu.memory_space<vmem>> -> memref<128x128xf32, #tpu.memory_space<vmem>>
      %dma_wait3A_771 = arith.constant 0 : i32
      %dma_wait3A_772 = arith.constant 0 : i32
      %dma_wait3A_773 = tpu.memref_slice %arg2[%dma_wait3A_771, %dma_wait3A_772] : memref<100000x128xf32, #tpu.memory_space<hbm>> -> memref<128x128xf32, #tpu.memory_space<hbm>>
      tpu.wait_dma2 semaphore(%arg10 : memref<!tpu.dma_semaphore, #tpu.memory_space<semaphore_mem>>) src(%dma_wait3A_773 : memref<128x128xf32, #tpu.memory_space<hbm>>) dst(%dma_wait3A_770 : memref<128x128xf32, #tpu.memory_space<vmem>>)
      %sub3A_774 = arith.constant 5 : i32
      %sub3A_775 = arith.subi %add3A_725, %sub3A_774 : i32
      %dma_start3A_776 = arith.constant 3 : i32
      %dma_start3A_777 = arith.constant 0 : i32
      %dma_start3A_778 = arith.constant 0 : i32
      %dma_start3A_779 = tpu.memref_slice %arg6[%dma_start3A_776, %dma_start3A_777, %dma_start3A_778] : memref<6x128x128xf32, #tpu.memory_space<vmem>> -> memref<1x128x128xf32, #tpu.memory_space<vmem>>
      %dma_start3A_780 = tpu.memref_squeeze %dma_start3A_779 : memref<1x128x128xf32, #tpu.memory_space<vmem>> -> memref<128x128xf32, #tpu.memory_space<vmem>>
      %dma_start3A_781 = arith.constant 0 : i32
      %dma_start3A_782 = arith.constant 0 : i32
      %dma_start3A_783 = tpu.memref_slice %arg4[%sub3A_775, %dma_start3A_781, %dma_start3A_782] : memref<50x4096x128xf32, #tpu.memory_space<hbm>> -> memref<1x4096x128xf32, #tpu.memory_space<hbm>>
      %dma_start3A_784 = tpu.memref_squeeze %dma_start3A_783 : memref<1x4096x128xf32, #tpu.memory_space<hbm>> -> memref<4096x128xf32, #tpu.memory_space<hbm>>
      %dma_start3A_785 = arith.constant 0 : i32
      %dma_start3A_786 = tpu.memref_slice %dma_start3A_784[%mul3A_2, %dma_start3A_785] : memref<4096x128xf32, #tpu.memory_space<hbm>> -> memref<128x128xf32, #tpu.memory_space<hbm>>
      %dma_start3A_787 = arith.constant 0 : i32
      %dma_start3A_788 = arith.constant 0 : i32
      %dma_start3A_789 = tpu.memref_slice %arg4[%sub3A_775, %dma_start3A_787, %dma_start3A_788] : memref<50x4096x128xf32, #tpu.memory_space<hbm>> -> memref<1x4096x128xf32, #tpu.memory_space<hbm>>
      %dma_start3A_790 = tpu.memref_squeeze %dma_start3A_789 : memref<1x4096x128xf32, #tpu.memory_space<hbm>> -> memref<4096x128xf32, #tpu.memory_space<hbm>>
      %dma_start3A_791 = arith.constant 0 : i32
      %dma_start3A_792 = tpu.memref_slice %dma_start3A_790[%mul3A_2, %dma_start3A_791] : memref<4096x128xf32, #tpu.memory_space<hbm>> -> memref<128x128xf32, #tpu.memory_space<hbm>>
      %dma_start3A_793 = arith.constant 0 : i32
      %dma_start3A_794 = arith.constant 0 : i32
      %dma_start3A_795 = tpu.memref_slice %arg6[%dma_start3A_776, %dma_start3A_793, %dma_start3A_794] : memref<6x128x128xf32, #tpu.memory_space<vmem>> -> memref<1x128x128xf32, #tpu.memory_space<vmem>>
      %dma_start3A_796 = tpu.memref_squeeze %dma_start3A_795 : memref<1x128x128xf32, #tpu.memory_space<vmem>> -> memref<128x128xf32, #tpu.memory_space<vmem>>
      tpu.enqueue_dma source(%dma_start3A_796 : memref<128x128xf32, #tpu.memory_space<vmem>>) target(%dma_start3A_792 : memref<128x128xf32, #tpu.memory_space<hbm>>) target_semaphore(%arg16 : memref<!tpu.dma_semaphore, #tpu.memory_space<semaphore_mem>>)
      %add3A_797 = arith.constant 3 : i32
      %add3A_798 = arith.addi %add3A_578, %add3A_797 : i32
      %dma_wait3A_799 = arith.constant 3 : i32
      %dma_wait3A_800 = arith.constant 0 : i32
      %dma_wait3A_801 = arith.constant 0 : i32
      %dma_wait3A_802 = arith.constant 0 : i32
      %dma_wait3A_803 = tpu.memref_slice %arg6[%dma_wait3A_799, %dma_wait3A_801, %dma_wait3A_802] : memref<6x128x128xf32, #tpu.memory_space<vmem>> -> memref<1x128x128xf32, #tpu.memory_space<vmem>>
      %dma_wait3A_804 = tpu.memref_squeeze %dma_wait3A_803 : memref<1x128x128xf32, #tpu.memory_space<vmem>> -> memref<128x128xf32, #tpu.memory_space<vmem>>
      %dma_wait3A_805 = arith.constant 0 : i32
      %dma_wait3A_806 = arith.constant 0 : i32
      %dma_wait3A_807 = tpu.memref_slice %arg4[%dma_wait3A_800, %dma_wait3A_805, %dma_wait3A_806] : memref<50x4096x128xf32, #tpu.memory_space<hbm>> -> memref<1x4096x128xf32, #tpu.memory_space<hbm>>
      %dma_wait3A_808 = tpu.memref_squeeze %dma_wait3A_807 : memref<1x4096x128xf32, #tpu.memory_space<hbm>> -> memref<4096x128xf32, #tpu.memory_space<hbm>>
      %dma_wait3A_809 = arith.constant 0 : i32
      %dma_wait3A_810 = tpu.memref_slice %dma_wait3A_808[%mul3A_2, %dma_wait3A_809] : memref<4096x128xf32, #tpu.memory_space<hbm>> -> memref<128x128xf32, #tpu.memory_space<hbm>>
      %dma_wait3A_811 = arith.constant 0 : i32
      %dma_wait3A_812 = arith.constant 0 : i32
      %dma_wait3A_813 = tpu.memref_slice %arg4[%dma_wait3A_800, %dma_wait3A_811, %dma_wait3A_812] : memref<50x4096x128xf32, #tpu.memory_space<hbm>> -> memref<1x4096x128xf32, #tpu.memory_space<hbm>>
      %dma_wait3A_814 = tpu.memref_squeeze %dma_wait3A_813 : memref<1x4096x128xf32, #tpu.memory_space<hbm>> -> memref<4096x128xf32, #tpu.memory_space<hbm>>
      %dma_wait3A_815 = arith.constant 0 : i32
      %dma_wait3A_816 = tpu.memref_slice %dma_wait3A_814[%mul3A_2, %dma_wait3A_815] : memref<4096x128xf32, #tpu.memory_space<hbm>> -> memref<128x128xf32, #tpu.memory_space<hbm>>
      %dma_wait3A_817 = arith.constant 0 : i32
      %dma_wait3A_818 = arith.constant 0 : i32
      %dma_wait3A_819 = tpu.memref_slice %arg6[%dma_wait3A_799, %dma_wait3A_817, %dma_wait3A_818] : memref<6x128x128xf32, #tpu.memory_space<vmem>> -> memref<1x128x128xf32, #tpu.memory_space<vmem>>
      %dma_wait3A_820 = tpu.memref_squeeze %dma_wait3A_819 : memref<1x128x128xf32, #tpu.memory_space<vmem>> -> memref<128x128xf32, #tpu.memory_space<vmem>>
      tpu.wait_dma2 semaphore(%arg16 : memref<!tpu.dma_semaphore, #tpu.memory_space<semaphore_mem>>) src(%dma_wait3A_820 : memref<128x128xf32, #tpu.memory_space<vmem>>) dst(%dma_wait3A_816 : memref<128x128xf32, #tpu.memory_space<hbm>>)
      %dma_start3A_821 = arith.constant 3 : i32
      %dma_start3A_822 = arith.constant 0 : i32
      %dma_start3A_823 = arith.constant 0 : i32
      %dma_start3A_824 = tpu.memref_slice %arg6[%dma_start3A_821, %dma_start3A_822, %dma_start3A_823] : memref<6x128x128xf32, #tpu.memory_space<vmem>> -> memref<1x128x128xf32, #tpu.memory_space<vmem>>
      %dma_start3A_825 = tpu.memref_squeeze %dma_start3A_824 : memref<1x128x128xf32, #tpu.memory_space<vmem>> -> memref<128x128xf32, #tpu.memory_space<vmem>>
      %dma_start3A_826 = arith.constant 0 : i32
      %dma_start3A_827 = tpu.memref_slice %arg5[%add3A_798, %dma_start3A_826] : memref<50x128xi32, #tpu.memory_space<vmem>> -> memref<1x128xi32, #tpu.memory_space<vmem>>
      %dma_start3A_828 = tpu.memref_squeeze %dma_start3A_827 : memref<1x128xi32, #tpu.memory_space<vmem>> -> memref<128xi32, #tpu.memory_space<vmem>>
      %dma_start3A_829 = arith.constant 0 : i32
      %dma_start3A_830 = arith.constant 0 : i32
      %dma_start3A_831 = tpu.memref_slice %arg2[%dma_start3A_829, %dma_start3A_830] : memref<100000x128xf32, #tpu.memory_space<hbm>> -> memref<100000x128xf32, #tpu.memory_space<hbm>>
      tpu.enqueue_indirect_dma source(%dma_start3A_831 : memref<100000x128xf32, #tpu.memory_space<hbm>>) target(%dma_start3A_825 : memref<128x128xf32, #tpu.memory_space<vmem>>) offsets(%dma_start3A_828 : memref<128xi32, #tpu.memory_space<vmem>>) semaphore(%arg10 : memref<!tpu.dma_semaphore, #tpu.memory_space<semaphore_mem>>)
      %dma_wait3A_832 = arith.constant 4 : i32
      %dma_wait3A_833 = arith.constant 0 : i32
      %dma_wait3A_834 = arith.constant 0 : i32
      %dma_wait3A_835 = tpu.memref_slice %arg6[%dma_wait3A_832, %dma_wait3A_833, %dma_wait3A_834] : memref<6x128x128xf32, #tpu.memory_space<vmem>> -> memref<1x128x128xf32, #tpu.memory_space<vmem>>
      %dma_wait3A_836 = tpu.memref_squeeze %dma_wait3A_835 : memref<1x128x128xf32, #tpu.memory_space<vmem>> -> memref<128x128xf32, #tpu.memory_space<vmem>>
      %dma_wait3A_837 = arith.constant 0 : i32
      %dma_wait3A_838 = arith.constant 0 : i32
      %dma_wait3A_839 = tpu.memref_slice %arg2[%dma_wait3A_837, %dma_wait3A_838] : memref<100000x128xf32, #tpu.memory_space<hbm>> -> memref<128x128xf32, #tpu.memory_space<hbm>>
      %dma_wait3A_840 = arith.constant 0 : i32
      %dma_wait3A_841 = arith.constant 0 : i32
      %dma_wait3A_842 = tpu.memref_slice %arg6[%dma_wait3A_832, %dma_wait3A_840, %dma_wait3A_841] : memref<6x128x128xf32, #tpu.memory_space<vmem>> -> memref<1x128x128xf32, #tpu.memory_space<vmem>>
      %dma_wait3A_843 = tpu.memref_squeeze %dma_wait3A_842 : memref<1x128x128xf32, #tpu.memory_space<vmem>> -> memref<128x128xf32, #tpu.memory_space<vmem>>
      %dma_wait3A_844 = arith.constant 0 : i32
      %dma_wait3A_845 = arith.constant 0 : i32
      %dma_wait3A_846 = tpu.memref_slice %arg2[%dma_wait3A_844, %dma_wait3A_845] : memref<100000x128xf32, #tpu.memory_space<hbm>> -> memref<128x128xf32, #tpu.memory_space<hbm>>
      tpu.wait_dma2 semaphore(%arg11 : memref<!tpu.dma_semaphore, #tpu.memory_space<semaphore_mem>>) src(%dma_wait3A_846 : memref<128x128xf32, #tpu.memory_space<hbm>>) dst(%dma_wait3A_843 : memref<128x128xf32, #tpu.memory_space<vmem>>)
      %sub3A_847 = arith.constant 5 : i32
      %sub3A_848 = arith.subi %add3A_798, %sub3A_847 : i32
      %dma_start3A_849 = arith.constant 4 : i32
      %dma_start3A_850 = arith.constant 0 : i32
      %dma_start3A_851 = arith.constant 0 : i32
      %dma_start3A_852 = tpu.memref_slice %arg6[%dma_start3A_849, %dma_start3A_850, %dma_start3A_851] : memref<6x128x128xf32, #tpu.memory_space<vmem>> -> memref<1x128x128xf32, #tpu.memory_space<vmem>>
      %dma_start3A_853 = tpu.memref_squeeze %dma_start3A_852 : memref<1x128x128xf32, #tpu.memory_space<vmem>> -> memref<128x128xf32, #tpu.memory_space<vmem>>
      %dma_start3A_854 = arith.constant 0 : i32
      %dma_start3A_855 = arith.constant 0 : i32
      %dma_start3A_856 = tpu.memref_slice %arg4[%sub3A_848, %dma_start3A_854, %dma_start3A_855] : memref<50x4096x128xf32, #tpu.memory_space<hbm>> -> memref<1x4096x128xf32, #tpu.memory_space<hbm>>
      %dma_start3A_857 = tpu.memref_squeeze %dma_start3A_856 : memref<1x4096x128xf32, #tpu.memory_space<hbm>> -> memref<4096x128xf32, #tpu.memory_space<hbm>>
      %dma_start3A_858 = arith.constant 0 : i32
      %dma_start3A_859 = tpu.memref_slice %dma_start3A_857[%mul3A_2, %dma_start3A_858] : memref<4096x128xf32, #tpu.memory_space<hbm>> -> memref<128x128xf32, #tpu.memory_space<hbm>>
      %dma_start3A_860 = arith.constant 0 : i32
      %dma_start3A_861 = arith.constant 0 : i32
      %dma_start3A_862 = tpu.memref_slice %arg4[%sub3A_848, %dma_start3A_860, %dma_start3A_861] : memref<50x4096x128xf32, #tpu.memory_space<hbm>> -> memref<1x4096x128xf32, #tpu.memory_space<hbm>>
      %dma_start3A_863 = tpu.memref_squeeze %dma_start3A_862 : memref<1x4096x128xf32, #tpu.memory_space<hbm>> -> memref<4096x128xf32, #tpu.memory_space<hbm>>
      %dma_start3A_864 = arith.constant 0 : i32
      %dma_start3A_865 = tpu.memref_slice %dma_start3A_863[%mul3A_2, %dma_start3A_864] : memref<4096x128xf32, #tpu.memory_space<hbm>> -> memref<128x128xf32, #tpu.memory_space<hbm>>
      %dma_start3A_866 = arith.constant 0 : i32
      %dma_start3A_867 = arith.constant 0 : i32
      %dma_start3A_868 = tpu.memref_slice %arg6[%dma_start3A_849, %dma_start3A_866, %dma_start3A_867] : memref<6x128x128xf32, #tpu.memory_space<vmem>> -> memref<1x128x128xf32, #tpu.memory_space<vmem>>
      %dma_start3A_869 = tpu.memref_squeeze %dma_start3A_868 : memref<1x128x128xf32, #tpu.memory_space<vmem>> -> memref<128x128xf32, #tpu.memory_space<vmem>>
      tpu.enqueue_dma source(%dma_start3A_869 : memref<128x128xf32, #tpu.memory_space<vmem>>) target(%dma_start3A_865 : memref<128x128xf32, #tpu.memory_space<hbm>>) target_semaphore(%arg17 : memref<!tpu.dma_semaphore, #tpu.memory_space<semaphore_mem>>)
      %add3A_870 = arith.constant 4 : i32
      %add3A_871 = arith.addi %add3A_578, %add3A_870 : i32
      %dma_wait3A_872 = arith.constant 4 : i32
      %dma_wait3A_873 = arith.constant 0 : i32
      %dma_wait3A_874 = arith.constant 0 : i32
      %dma_wait3A_875 = arith.constant 0 : i32
      %dma_wait3A_876 = tpu.memref_slice %arg6[%dma_wait3A_872, %dma_wait3A_874, %dma_wait3A_875] : memref<6x128x128xf32, #tpu.memory_space<vmem>> -> memref<1x128x128xf32, #tpu.memory_space<vmem>>
      %dma_wait3A_877 = tpu.memref_squeeze %dma_wait3A_876 : memref<1x128x128xf32, #tpu.memory_space<vmem>> -> memref<128x128xf32, #tpu.memory_space<vmem>>
      %dma_wait3A_878 = arith.constant 0 : i32
      %dma_wait3A_879 = arith.constant 0 : i32
      %dma_wait3A_880 = tpu.memref_slice %arg4[%dma_wait3A_873, %dma_wait3A_878, %dma_wait3A_879] : memref<50x4096x128xf32, #tpu.memory_space<hbm>> -> memref<1x4096x128xf32, #tpu.memory_space<hbm>>
      %dma_wait3A_881 = tpu.memref_squeeze %dma_wait3A_880 : memref<1x4096x128xf32, #tpu.memory_space<hbm>> -> memref<4096x128xf32, #tpu.memory_space<hbm>>
      %dma_wait3A_882 = arith.constant 0 : i32
      %dma_wait3A_883 = tpu.memref_slice %dma_wait3A_881[%mul3A_2, %dma_wait3A_882] : memref<4096x128xf32, #tpu.memory_space<hbm>> -> memref<128x128xf32, #tpu.memory_space<hbm>>
      %dma_wait3A_884 = arith.constant 0 : i32
      %dma_wait3A_885 = arith.constant 0 : i32
      %dma_wait3A_886 = tpu.memref_slice %arg4[%dma_wait3A_873, %dma_wait3A_884, %dma_wait3A_885] : memref<50x4096x128xf32, #tpu.memory_space<hbm>> -> memref<1x4096x128xf32, #tpu.memory_space<hbm>>
      %dma_wait3A_887 = tpu.memref_squeeze %dma_wait3A_886 : memref<1x4096x128xf32, #tpu.memory_space<hbm>> -> memref<4096x128xf32, #tpu.memory_space<hbm>>
      %dma_wait3A_888 = arith.constant 0 : i32
      %dma_wait3A_889 = tpu.memref_slice %dma_wait3A_887[%mul3A_2, %dma_wait3A_888] : memref<4096x128xf32, #tpu.memory_space<hbm>> -> memref<128x128xf32, #tpu.memory_space<hbm>>
      %dma_wait3A_890 = arith.constant 0 : i32
      %dma_wait3A_891 = arith.constant 0 : i32
      %dma_wait3A_892 = tpu.memref_slice %arg6[%dma_wait3A_872, %dma_wait3A_890, %dma_wait3A_891] : memref<6x128x128xf32, #tpu.memory_space<vmem>> -> memref<1x128x128xf32, #tpu.memory_space<vmem>>
      %dma_wait3A_893 = tpu.memref_squeeze %dma_wait3A_892 : memref<1x128x128xf32, #tpu.memory_space<vmem>> -> memref<128x128xf32, #tpu.memory_space<vmem>>
      tpu.wait_dma2 semaphore(%arg17 : memref<!tpu.dma_semaphore, #tpu.memory_space<semaphore_mem>>) src(%dma_wait3A_893 : memref<128x128xf32, #tpu.memory_space<vmem>>) dst(%dma_wait3A_889 : memref<128x128xf32, #tpu.memory_space<hbm>>)
      %dma_start3A_894 = arith.constant 4 : i32
      %dma_start3A_895 = arith.constant 0 : i32
      %dma_start3A_896 = arith.constant 0 : i32
      %dma_start3A_897 = tpu.memref_slice %arg6[%dma_start3A_894, %dma_start3A_895, %dma_start3A_896] : memref<6x128x128xf32, #tpu.memory_space<vmem>> -> memref<1x128x128xf32, #tpu.memory_space<vmem>>
      %dma_start3A_898 = tpu.memref_squeeze %dma_start3A_897 : memref<1x128x128xf32, #tpu.memory_space<vmem>> -> memref<128x128xf32, #tpu.memory_space<vmem>>
      %dma_start3A_899 = arith.constant 0 : i32
      %dma_start3A_900 = tpu.memref_slice %arg5[%add3A_871, %dma_start3A_899] : memref<50x128xi32, #tpu.memory_space<vmem>> -> memref<1x128xi32, #tpu.memory_space<vmem>>
      %dma_start3A_901 = tpu.memref_squeeze %dma_start3A_900 : memref<1x128xi32, #tpu.memory_space<vmem>> -> memref<128xi32, #tpu.memory_space<vmem>>
      %dma_start3A_902 = arith.constant 0 : i32
      %dma_start3A_903 = arith.constant 0 : i32
      %dma_start3A_904 = tpu.memref_slice %arg2[%dma_start3A_902, %dma_start3A_903] : memref<100000x128xf32, #tpu.memory_space<hbm>> -> memref<100000x128xf32, #tpu.memory_space<hbm>>
      tpu.enqueue_indirect_dma source(%dma_start3A_904 : memref<100000x128xf32, #tpu.memory_space<hbm>>) target(%dma_start3A_898 : memref<128x128xf32, #tpu.memory_space<vmem>>) offsets(%dma_start3A_901 : memref<128xi32, #tpu.memory_space<vmem>>) semaphore(%arg11 : memref<!tpu.dma_semaphore, #tpu.memory_space<semaphore_mem>>)
      %dma_wait3A_905 = arith.constant 5 : i32
      %dma_wait3A_906 = arith.constant 0 : i32
      %dma_wait3A_907 = arith.constant 0 : i32
      %dma_wait3A_908 = tpu.memref_slice %arg6[%dma_wait3A_905, %dma_wait3A_906, %dma_wait3A_907] : memref<6x128x128xf32, #tpu.memory_space<vmem>> -> memref<1x128x128xf32, #tpu.memory_space<vmem>>
      %dma_wait3A_909 = tpu.memref_squeeze %dma_wait3A_908 : memref<1x128x128xf32, #tpu.memory_space<vmem>> -> memref<128x128xf32, #tpu.memory_space<vmem>>
      %dma_wait3A_910 = arith.constant 0 : i32
      %dma_wait3A_911 = arith.constant 0 : i32
      %dma_wait3A_912 = tpu.memref_slice %arg2[%dma_wait3A_910, %dma_wait3A_911] : memref<100000x128xf32, #tpu.memory_space<hbm>> -> memref<128x128xf32, #tpu.memory_space<hbm>>
      %dma_wait3A_913 = arith.constant 0 : i32
      %dma_wait3A_914 = arith.constant 0 : i32
      %dma_wait3A_915 = tpu.memref_slice %arg6[%dma_wait3A_905, %dma_wait3A_913, %dma_wait3A_914] : memref<6x128x128xf32, #tpu.memory_space<vmem>> -> memref<1x128x128xf32, #tpu.memory_space<vmem>>
      %dma_wait3A_916 = tpu.memref_squeeze %dma_wait3A_915 : memref<1x128x128xf32, #tpu.memory_space<vmem>> -> memref<128x128xf32, #tpu.memory_space<vmem>>
      %dma_wait3A_917 = arith.constant 0 : i32
      %dma_wait3A_918 = arith.constant 0 : i32
      %dma_wait3A_919 = tpu.memref_slice %arg2[%dma_wait3A_917, %dma_wait3A_918] : memref<100000x128xf32, #tpu.memory_space<hbm>> -> memref<128x128xf32, #tpu.memory_space<hbm>>
      tpu.wait_dma2 semaphore(%arg12 : memref<!tpu.dma_semaphore, #tpu.memory_space<semaphore_mem>>) src(%dma_wait3A_919 : memref<128x128xf32, #tpu.memory_space<hbm>>) dst(%dma_wait3A_916 : memref<128x128xf32, #tpu.memory_space<vmem>>)
      %sub3A_920 = arith.constant 5 : i32
      %sub3A_921 = arith.subi %add3A_871, %sub3A_920 : i32
      %dma_start3A_922 = arith.constant 5 : i32
      %dma_start3A_923 = arith.constant 0 : i32
      %dma_start3A_924 = arith.constant 0 : i32
      %dma_start3A_925 = tpu.memref_slice %arg6[%dma_start3A_922, %dma_start3A_923, %dma_start3A_924] : memref<6x128x128xf32, #tpu.memory_space<vmem>> -> memref<1x128x128xf32, #tpu.memory_space<vmem>>
      %dma_start3A_926 = tpu.memref_squeeze %dma_start3A_925 : memref<1x128x128xf32, #tpu.memory_space<vmem>> -> memref<128x128xf32, #tpu.memory_space<vmem>>
      %dma_start3A_927 = arith.constant 0 : i32
      %dma_start3A_928 = arith.constant 0 : i32
      %dma_start3A_929 = tpu.memref_slice %arg4[%sub3A_921, %dma_start3A_927, %dma_start3A_928] : memref<50x4096x128xf32, #tpu.memory_space<hbm>> -> memref<1x4096x128xf32, #tpu.memory_space<hbm>>
      %dma_start3A_930 = tpu.memref_squeeze %dma_start3A_929 : memref<1x4096x128xf32, #tpu.memory_space<hbm>> -> memref<4096x128xf32, #tpu.memory_space<hbm>>
      %dma_start3A_931 = arith.constant 0 : i32
      %dma_start3A_932 = tpu.memref_slice %dma_start3A_930[%mul3A_2, %dma_start3A_931] : memref<4096x128xf32, #tpu.memory_space<hbm>> -> memref<128x128xf32, #tpu.memory_space<hbm>>
      %dma_start3A_933 = arith.constant 0 : i32
      %dma_start3A_934 = arith.constant 0 : i32
      %dma_start3A_935 = tpu.memref_slice %arg4[%sub3A_921, %dma_start3A_933, %dma_start3A_934] : memref<50x4096x128xf32, #tpu.memory_space<hbm>> -> memref<1x4096x128xf32, #tpu.memory_space<hbm>>
      %dma_start3A_936 = tpu.memref_squeeze %dma_start3A_935 : memref<1x4096x128xf32, #tpu.memory_space<hbm>> -> memref<4096x128xf32, #tpu.memory_space<hbm>>
      %dma_start3A_937 = arith.constant 0 : i32
      %dma_start3A_938 = tpu.memref_slice %dma_start3A_936[%mul3A_2, %dma_start3A_937] : memref<4096x128xf32, #tpu.memory_space<hbm>> -> memref<128x128xf32, #tpu.memory_space<hbm>>
      %dma_start3A_939 = arith.constant 0 : i32
      %dma_start3A_940 = arith.constant 0 : i32
      %dma_start3A_941 = tpu.memref_slice %arg6[%dma_start3A_922, %dma_start3A_939, %dma_start3A_940] : memref<6x128x128xf32, #tpu.memory_space<vmem>> -> memref<1x128x128xf32, #tpu.memory_space<vmem>>
      %dma_start3A_942 = tpu.memref_squeeze %dma_start3A_941 : memref<1x128x128xf32, #tpu.memory_space<vmem>> -> memref<128x128xf32, #tpu.memory_space<vmem>>
      tpu.enqueue_dma source(%dma_start3A_942 : memref<128x128xf32, #tpu.memory_space<vmem>>) target(%dma_start3A_938 : memref<128x128xf32, #tpu.memory_space<hbm>>) target_semaphore(%arg18 : memref<!tpu.dma_semaphore, #tpu.memory_space<semaphore_mem>>)
      %add3A_943 = arith.constant 5 : i32
      %add3A_944 = arith.addi %add3A_578, %add3A_943 : i32
      %dma_wait3A_945 = arith.constant 5 : i32
      %dma_wait3A_946 = arith.constant 0 : i32
      %dma_wait3A_947 = arith.constant 0 : i32
      %dma_wait3A_948 = arith.constant 0 : i32
      %dma_wait3A_949 = tpu.memref_slice %arg6[%dma_wait3A_945, %dma_wait3A_947, %dma_wait3A_948] : memref<6x128x128xf32, #tpu.memory_space<vmem>> -> memref<1x128x128xf32, #tpu.memory_space<vmem>>
      %dma_wait3A_950 = tpu.memref_squeeze %dma_wait3A_949 : memref<1x128x128xf32, #tpu.memory_space<vmem>> -> memref<128x128xf32, #tpu.memory_space<vmem>>
      %dma_wait3A_951 = arith.constant 0 : i32
      %dma_wait3A_952 = arith.constant 0 : i32
      %dma_wait3A_953 = tpu.memref_slice %arg4[%dma_wait3A_946, %dma_wait3A_951, %dma_wait3A_952] : memref<50x4096x128xf32, #tpu.memory_space<hbm>> -> memref<1x4096x128xf32, #tpu.memory_space<hbm>>
      %dma_wait3A_954 = tpu.memref_squeeze %dma_wait3A_953 : memref<1x4096x128xf32, #tpu.memory_space<hbm>> -> memref<4096x128xf32, #tpu.memory_space<hbm>>
      %dma_wait3A_955 = arith.constant 0 : i32
      %dma_wait3A_956 = tpu.memref_slice %dma_wait3A_954[%mul3A_2, %dma_wait3A_955] : memref<4096x128xf32, #tpu.memory_space<hbm>> -> memref<128x128xf32, #tpu.memory_space<hbm>>
      %dma_wait3A_957 = arith.constant 0 : i32
      %dma_wait3A_958 = arith.constant 0 : i32
      %dma_wait3A_959 = tpu.memref_slice %arg4[%dma_wait3A_946, %dma_wait3A_957, %dma_wait3A_958] : memref<50x4096x128xf32, #tpu.memory_space<hbm>> -> memref<1x4096x128xf32, #tpu.memory_space<hbm>>
      %dma_wait3A_960 = tpu.memref_squeeze %dma_wait3A_959 : memref<1x4096x128xf32, #tpu.memory_space<hbm>> -> memref<4096x128xf32, #tpu.memory_space<hbm>>
      %dma_wait3A_961 = arith.constant 0 : i32
      %dma_wait3A_962 = tpu.memref_slice %dma_wait3A_960[%mul3A_2, %dma_wait3A_961] : memref<4096x128xf32, #tpu.memory_space<hbm>> -> memref<128x128xf32, #tpu.memory_space<hbm>>
      %dma_wait3A_963 = arith.constant 0 : i32
      %dma_wait3A_964 = arith.constant 0 : i32
      %dma_wait3A_965 = tpu.memref_slice %arg6[%dma_wait3A_945, %dma_wait3A_963, %dma_wait3A_964] : memref<6x128x128xf32, #tpu.memory_space<vmem>> -> memref<1x128x128xf32, #tpu.memory_space<vmem>>
      %dma_wait3A_966 = tpu.memref_squeeze %dma_wait3A_965 : memref<1x128x128xf32, #tpu.memory_space<vmem>> -> memref<128x128xf32, #tpu.memory_space<vmem>>
      tpu.wait_dma2 semaphore(%arg18 : memref<!tpu.dma_semaphore, #tpu.memory_space<semaphore_mem>>) src(%dma_wait3A_966 : memref<128x128xf32, #tpu.memory_space<vmem>>) dst(%dma_wait3A_962 : memref<128x128xf32, #tpu.memory_space<hbm>>)
      %dma_start3A_967 = arith.constant 5 : i32
      %dma_start3A_968 = arith.constant 0 : i32
      %dma_start3A_969 = arith.constant 0 : i32
      %dma_start3A_970 = tpu.memref_slice %arg6[%dma_start3A_967, %dma_start3A_968, %dma_start3A_969] : memref<6x128x128xf32, #tpu.memory_space<vmem>> -> memref<1x128x128xf32, #tpu.memory_space<vmem>>
      %dma_start3A_971 = tpu.memref_squeeze %dma_start3A_970 : memref<1x128x128xf32, #tpu.memory_space<vmem>> -> memref<128x128xf32, #tpu.memory_space<vmem>>
      %dma_start3A_972 = arith.constant 0 : i32
      %dma_start3A_973 = tpu.memref_slice %arg5[%add3A_944, %dma_start3A_972] : memref<50x128xi32, #tpu.memory_space<vmem>> -> memref<1x128xi32, #tpu.memory_space<vmem>>
      %dma_start3A_974 = tpu.memref_squeeze %dma_start3A_973 : memref<1x128xi32, #tpu.memory_space<vmem>> -> memref<128xi32, #tpu.memory_space<vmem>>
      %dma_start3A_975 = arith.constant 0 : i32
      %dma_start3A_976 = arith.constant 0 : i32
      %dma_start3A_977 = tpu.memref_slice %arg2[%dma_start3A_975, %dma_start3A_976] : memref<100000x128xf32, #tpu.memory_space<hbm>> -> memref<100000x128xf32, #tpu.memory_space<hbm>>
      tpu.enqueue_indirect_dma source(%dma_start3A_977 : memref<100000x128xf32, #tpu.memory_space<hbm>>) target(%dma_start3A_971 : memref<128x128xf32, #tpu.memory_space<vmem>>) offsets(%dma_start3A_974 : memref<128xi32, #tpu.memory_space<vmem>>) semaphore(%arg12 : memref<!tpu.dma_semaphore, #tpu.memory_space<semaphore_mem>>)
      %dma_wait3A_978 = arith.constant 0 : i32
      %dma_wait3A_979 = arith.constant 0 : i32
      %dma_wait3A_980 = arith.constant 0 : i32
      %dma_wait3A_981 = tpu.memref_slice %arg6[%dma_wait3A_978, %dma_wait3A_979, %dma_wait3A_980] : memref<6x128x128xf32, #tpu.memory_space<vmem>> -> memref<1x128x128xf32, #tpu.memory_space<vmem>>
      %dma_wait3A_982 = tpu.memref_squeeze %dma_wait3A_981 : memref<1x128x128xf32, #tpu.memory_space<vmem>> -> memref<128x128xf32, #tpu.memory_space<vmem>>
      %dma_wait3A_983 = arith.constant 0 : i32
      %dma_wait3A_984 = arith.constant 0 : i32
      %dma_wait3A_985 = tpu.memref_slice %arg2[%dma_wait3A_983, %dma_wait3A_984] : memref<100000x128xf32, #tpu.memory_space<hbm>> -> memref<128x128xf32, #tpu.memory_space<hbm>>
      %dma_wait3A_986 = arith.constant 0 : i32
      %dma_wait3A_987 = arith.constant 0 : i32
      %dma_wait3A_988 = tpu.memref_slice %arg6[%dma_wait3A_978, %dma_wait3A_986, %dma_wait3A_987] : memref<6x128x128xf32, #tpu.memory_space<vmem>> -> memref<1x128x128xf32, #tpu.memory_space<vmem>>
      %dma_wait3A_989 = tpu.memref_squeeze %dma_wait3A_988 : memref<1x128x128xf32, #tpu.memory_space<vmem>> -> memref<128x128xf32, #tpu.memory_space<vmem>>
      %dma_wait3A_990 = arith.constant 0 : i32
      %dma_wait3A_991 = arith.constant 0 : i32
      %dma_wait3A_992 = tpu.memref_slice %arg2[%dma_wait3A_990, %dma_wait3A_991] : memref<100000x128xf32, #tpu.memory_space<hbm>> -> memref<128x128xf32, #tpu.memory_space<hbm>>
      tpu.wait_dma2 semaphore(%arg7 : memref<!tpu.dma_semaphore, #tpu.memory_space<semaphore_mem>>) src(%dma_wait3A_992 : memref<128x128xf32, #tpu.memory_space<hbm>>) dst(%dma_wait3A_989 : memref<128x128xf32, #tpu.memory_space<vmem>>)
      %sub3A_993 = arith.constant 5 : i32
      %sub3A_994 = arith.subi %add3A_944, %sub3A_993 : i32
      %dma_start3A_995 = arith.constant 0 : i32
      %dma_start3A_996 = arith.constant 0 : i32
      %dma_start3A_997 = arith.constant 0 : i32
      %dma_start3A_998 = tpu.memref_slice %arg6[%dma_start3A_995, %dma_start3A_996, %dma_start3A_997] : memref<6x128x128xf32, #tpu.memory_space<vmem>> -> memref<1x128x128xf32, #tpu.memory_space<vmem>>
      %dma_start3A_999 = tpu.memref_squeeze %dma_start3A_998 : memref<1x128x128xf32, #tpu.memory_space<vmem>> -> memref<128x128xf32, #tpu.memory_space<vmem>>
      %dma_start3A_1000 = arith.constant 0 : i32
      %dma_start3A_1001 = arith.constant 0 : i32
      %dma_start3A_1002 = tpu.memref_slice %arg4[%sub3A_994, %dma_start3A_1000, %dma_start3A_1001] : memref<50x4096x128xf32, #tpu.memory_space<hbm>> -> memref<1x4096x128xf32, #tpu.memory_space<hbm>>
      %dma_start3A_1003 = tpu.memref_squeeze %dma_start3A_1002 : memref<1x4096x128xf32, #tpu.memory_space<hbm>> -> memref<4096x128xf32, #tpu.memory_space<hbm>>
      %dma_start3A_1004 = arith.constant 0 : i32
      %dma_start3A_1005 = tpu.memref_slice %dma_start3A_1003[%mul3A_2, %dma_start3A_1004] : memref<4096x128xf32, #tpu.memory_space<hbm>> -> memref<128x128xf32, #tpu.memory_space<hbm>>
      %dma_start3A_1006 = arith.constant 0 : i32
      %dma_start3A_1007 = arith.constant 0 : i32
      %dma_start3A_1008 = tpu.memref_slice %arg4[%sub3A_994, %dma_start3A_1006, %dma_start3A_1007] : memref<50x4096x128xf32, #tpu.memory_space<hbm>> -> memref<1x4096x128xf32, #tpu.memory_space<hbm>>
      %dma_start3A_1009 = tpu.memref_squeeze %dma_start3A_1008 : memref<1x4096x128xf32, #tpu.memory_space<hbm>> -> memref<4096x128xf32, #tpu.memory_space<hbm>>
      %dma_start3A_1010 = arith.constant 0 : i32
      %dma_start3A_1011 = tpu.memref_slice %dma_start3A_1009[%mul3A_2, %dma_start3A_1010] : memref<4096x128xf32, #tpu.memory_space<hbm>> -> memref<128x128xf32, #tpu.memory_space<hbm>>
      %dma_start3A_1012 = arith.constant 0 : i32
      %dma_start3A_1013 = arith.constant 0 : i32
      %dma_start3A_1014 = tpu.memref_slice %arg6[%dma_start3A_995, %dma_start3A_1012, %dma_start3A_1013] : memref<6x128x128xf32, #tpu.memory_space<vmem>> -> memref<1x128x128xf32, #tpu.memory_space<vmem>>
      %dma_start3A_1015 = tpu.memref_squeeze %dma_start3A_1014 : memref<1x128x128xf32, #tpu.memory_space<vmem>> -> memref<128x128xf32, #tpu.memory_space<vmem>>
      tpu.enqueue_dma source(%dma_start3A_1015 : memref<128x128xf32, #tpu.memory_space<vmem>>) target(%dma_start3A_1011 : memref<128x128xf32, #tpu.memory_space<hbm>>) target_semaphore(%arg13 : memref<!tpu.dma_semaphore, #tpu.memory_space<semaphore_mem>>)
    }
    %scan3A_114 = arith.constant 7 : i32
    %dma_wait3A_115 = arith.constant 0 : i32
    %dma_wait3A_116 = arith.constant 0 : i32
    %dma_wait3A_117 = arith.constant 0 : i32
    %dma_wait3A_118 = arith.constant 0 : i32
    %dma_wait3A_119 = tpu.memref_slice %arg6[%dma_wait3A_115, %dma_wait3A_117, %dma_wait3A_118] : memref<6x128x128xf32, #tpu.memory_space<vmem>> -> memref<1x128x128xf32, #tpu.memory_space<vmem>>
    %dma_wait3A_120 = tpu.memref_squeeze %dma_wait3A_119 : memref<1x128x128xf32, #tpu.memory_space<vmem>> -> memref<128x128xf32, #tpu.memory_space<vmem>>
    %dma_wait3A_121 = arith.constant 0 : i32
    %dma_wait3A_122 = arith.constant 0 : i32
    %dma_wait3A_123 = tpu.memref_slice %arg4[%dma_wait3A_116, %dma_wait3A_121, %dma_wait3A_122] : memref<50x4096x128xf32, #tpu.memory_space<hbm>> -> memref<1x4096x128xf32, #tpu.memory_space<hbm>>
    %dma_wait3A_124 = tpu.memref_squeeze %dma_wait3A_123 : memref<1x4096x128xf32, #tpu.memory_space<hbm>> -> memref<4096x128xf32, #tpu.memory_space<hbm>>
    %dma_wait3A_125 = arith.constant 0 : i32
    %dma_wait3A_126 = tpu.memref_slice %dma_wait3A_124[%mul3A_2, %dma_wait3A_125] : memref<4096x128xf32, #tpu.memory_space<hbm>> -> memref<128x128xf32, #tpu.memory_space<hbm>>
    %dma_wait3A_127 = arith.constant 0 : i32
    %dma_wait3A_128 = arith.constant 0 : i32
    %dma_wait3A_129 = tpu.memref_slice %arg4[%dma_wait3A_116, %dma_wait3A_127, %dma_wait3A_128] : memref<50x4096x128xf32, #tpu.memory_space<hbm>> -> memref<1x4096x128xf32, #tpu.memory_space<hbm>>
    %dma_wait3A_130 = tpu.memref_squeeze %dma_wait3A_129 : memref<1x4096x128xf32, #tpu.memory_space<hbm>> -> memref<4096x128xf32, #tpu.memory_space<hbm>>
    %dma_wait3A_131 = arith.constant 0 : i32
    %dma_wait3A_132 = tpu.memref_slice %dma_wait3A_130[%mul3A_2, %dma_wait3A_131] : memref<4096x128xf32, #tpu.memory_space<hbm>> -> memref<128x128xf32, #tpu.memory_space<hbm>>
    %dma_wait3A_133 = arith.constant 0 : i32
    %dma_wait3A_134 = arith.constant 0 : i32
    %dma_wait3A_135 = tpu.memref_slice %arg6[%dma_wait3A_115, %dma_wait3A_133, %dma_wait3A_134] : memref<6x128x128xf32, #tpu.memory_space<vmem>> -> memref<1x128x128xf32, #tpu.memory_space<vmem>>
    %dma_wait3A_136 = tpu.memref_squeeze %dma_wait3A_135 : memref<1x128x128xf32, #tpu.memory_space<vmem>> -> memref<128x128xf32, #tpu.memory_space<vmem>>
    tpu.wait_dma2 semaphore(%arg13 : memref<!tpu.dma_semaphore, #tpu.memory_space<semaphore_mem>>) src(%dma_wait3A_136 : memref<128x128xf32, #tpu.memory_space<vmem>>) dst(%dma_wait3A_132 : memref<128x128xf32, #tpu.memory_space<hbm>>)
    %dma_start3A_137 = arith.constant 48 : i32
    %dma_start3A_138 = arith.constant 0 : i32
    %dma_start3A_139 = arith.constant 0 : i32
    %dma_start3A_140 = arith.constant 0 : i32
    %dma_start3A_141 = tpu.memref_slice %arg6[%dma_start3A_138, %dma_start3A_139, %dma_start3A_140] : memref<6x128x128xf32, #tpu.memory_space<vmem>> -> memref<1x128x128xf32, #tpu.memory_space<vmem>>
    %dma_start3A_142 = tpu.memref_squeeze %dma_start3A_141 : memref<1x128x128xf32, #tpu.memory_space<vmem>> -> memref<128x128xf32, #tpu.memory_space<vmem>>
    %dma_start3A_143 = arith.constant 0 : i32
    %dma_start3A_144 = tpu.memref_slice %arg5[%dma_start3A_137, %dma_start3A_143] : memref<50x128xi32, #tpu.memory_space<vmem>> -> memref<1x128xi32, #tpu.memory_space<vmem>>
    %dma_start3A_145 = tpu.memref_squeeze %dma_start3A_144 : memref<1x128xi32, #tpu.memory_space<vmem>> -> memref<128xi32, #tpu.memory_space<vmem>>
    %dma_start3A_146 = arith.constant 0 : i32
    %dma_start3A_147 = arith.constant 0 : i32
    %dma_start3A_148 = tpu.memref_slice %arg2[%dma_start3A_146, %dma_start3A_147] : memref<100000x128xf32, #tpu.memory_space<hbm>> -> memref<100000x128xf32, #tpu.memory_space<hbm>>
    tpu.enqueue_indirect_dma source(%dma_start3A_148 : memref<100000x128xf32, #tpu.memory_space<hbm>>) target(%dma_start3A_142 : memref<128x128xf32, #tpu.memory_space<vmem>>) offsets(%dma_start3A_145 : memref<128xi32, #tpu.memory_space<vmem>>) semaphore(%arg7 : memref<!tpu.dma_semaphore, #tpu.memory_space<semaphore_mem>>)
    %dma_wait3A_149 = arith.constant 1 : i32
    %dma_wait3A_150 = arith.constant 0 : i32
    %dma_wait3A_151 = arith.constant 0 : i32
    %dma_wait3A_152 = tpu.memref_slice %arg6[%dma_wait3A_149, %dma_wait3A_150, %dma_wait3A_151] : memref<6x128x128xf32, #tpu.memory_space<vmem>> -> memref<1x128x128xf32, #tpu.memory_space<vmem>>
    %dma_wait3A_153 = tpu.memref_squeeze %dma_wait3A_152 : memref<1x128x128xf32, #tpu.memory_space<vmem>> -> memref<128x128xf32, #tpu.memory_space<vmem>>
    %dma_wait3A_154 = arith.constant 0 : i32
    %dma_wait3A_155 = arith.constant 0 : i32
    %dma_wait3A_156 = tpu.memref_slice %arg2[%dma_wait3A_154, %dma_wait3A_155] : memref<100000x128xf32, #tpu.memory_space<hbm>> -> memref<128x128xf32, #tpu.memory_space<hbm>>
    %dma_wait3A_157 = arith.constant 0 : i32
    %dma_wait3A_158 = arith.constant 0 : i32
    %dma_wait3A_159 = tpu.memref_slice %arg6[%dma_wait3A_149, %dma_wait3A_157, %dma_wait3A_158] : memref<6x128x128xf32, #tpu.memory_space<vmem>> -> memref<1x128x128xf32, #tpu.memory_space<vmem>>
    %dma_wait3A_160 = tpu.memref_squeeze %dma_wait3A_159 : memref<1x128x128xf32, #tpu.memory_space<vmem>> -> memref<128x128xf32, #tpu.memory_space<vmem>>
    %dma_wait3A_161 = arith.constant 0 : i32
    %dma_wait3A_162 = arith.constant 0 : i32
    %dma_wait3A_163 = tpu.memref_slice %arg2[%dma_wait3A_161, %dma_wait3A_162] : memref<100000x128xf32, #tpu.memory_space<hbm>> -> memref<128x128xf32, #tpu.memory_space<hbm>>
    tpu.wait_dma2 semaphore(%arg8 : memref<!tpu.dma_semaphore, #tpu.memory_space<semaphore_mem>>) src(%dma_wait3A_163 : memref<128x128xf32, #tpu.memory_space<hbm>>) dst(%dma_wait3A_160 : memref<128x128xf32, #tpu.memory_space<vmem>>)
    %dma_start3A_164 = arith.constant 1 : i32
    %dma_start3A_165 = arith.constant 43 : i32
    %dma_start3A_166 = arith.constant 0 : i32
    %dma_start3A_167 = arith.constant 0 : i32
    %dma_start3A_168 = tpu.memref_slice %arg6[%dma_start3A_164, %dma_start3A_166, %dma_start3A_167] : memref<6x128x128xf32, #tpu.memory_space<vmem>> -> memref<1x128x128xf32, #tpu.memory_space<vmem>>
    %dma_start3A_169 = tpu.memref_squeeze %dma_start3A_168 : memref<1x128x128xf32, #tpu.memory_space<vmem>> -> memref<128x128xf32, #tpu.memory_space<vmem>>
    %dma_start3A_170 = arith.constant 0 : i32
    %dma_start3A_171 = arith.constant 0 : i32
    %dma_start3A_172 = tpu.memref_slice %arg4[%dma_start3A_165, %dma_start3A_170, %dma_start3A_171] : memref<50x4096x128xf32, #tpu.memory_space<hbm>> -> memref<1x4096x128xf32, #tpu.memory_space<hbm>>
    %dma_start3A_173 = tpu.memref_squeeze %dma_start3A_172 : memref<1x4096x128xf32, #tpu.memory_space<hbm>> -> memref<4096x128xf32, #tpu.memory_space<hbm>>
    %dma_start3A_174 = arith.constant 0 : i32
    %dma_start3A_175 = tpu.memref_slice %dma_start3A_173[%mul3A_2, %dma_start3A_174] : memref<4096x128xf32, #tpu.memory_space<hbm>> -> memref<128x128xf32, #tpu.memory_space<hbm>>
    %dma_start3A_176 = arith.constant 0 : i32
    %dma_start3A_177 = arith.constant 0 : i32
    %dma_start3A_178 = tpu.memref_slice %arg4[%dma_start3A_165, %dma_start3A_176, %dma_start3A_177] : memref<50x4096x128xf32, #tpu.memory_space<hbm>> -> memref<1x4096x128xf32, #tpu.memory_space<hbm>>
    %dma_start3A_179 = tpu.memref_squeeze %dma_start3A_178 : memref<1x4096x128xf32, #tpu.memory_space<hbm>> -> memref<4096x128xf32, #tpu.memory_space<hbm>>
    %dma_start3A_180 = arith.constant 0 : i32
    %dma_start3A_181 = tpu.memref_slice %dma_start3A_179[%mul3A_2, %dma_start3A_180] : memref<4096x128xf32, #tpu.memory_space<hbm>> -> memref<128x128xf32, #tpu.memory_space<hbm>>
    %dma_start3A_182 = arith.constant 0 : i32
    %dma_start3A_183 = arith.constant 0 : i32
    %dma_start3A_184 = tpu.memref_slice %arg6[%dma_start3A_164, %dma_start3A_182, %dma_start3A_183] : memref<6x128x128xf32, #tpu.memory_space<vmem>> -> memref<1x128x128xf32, #tpu.memory_space<vmem>>
    %dma_start3A_185 = tpu.memref_squeeze %dma_start3A_184 : memref<1x128x128xf32, #tpu.memory_space<vmem>> -> memref<128x128xf32, #tpu.memory_space<vmem>>
    tpu.enqueue_dma source(%dma_start3A_185 : memref<128x128xf32, #tpu.memory_space<vmem>>) target(%dma_start3A_181 : memref<128x128xf32, #tpu.memory_space<hbm>>) target_semaphore(%arg14 : memref<!tpu.dma_semaphore, #tpu.memory_space<semaphore_mem>>)
    %dma_wait3A_186 = arith.constant 1 : i32
    %dma_wait3A_187 = arith.constant 0 : i32
    %dma_wait3A_188 = arith.constant 0 : i32
    %dma_wait3A_189 = arith.constant 0 : i32
    %dma_wait3A_190 = tpu.memref_slice %arg6[%dma_wait3A_186, %dma_wait3A_188, %dma_wait3A_189] : memref<6x128x128xf32, #tpu.memory_space<vmem>> -> memref<1x128x128xf32, #tpu.memory_space<vmem>>
    %dma_wait3A_191 = tpu.memref_squeeze %dma_wait3A_190 : memref<1x128x128xf32, #tpu.memory_space<vmem>> -> memref<128x128xf32, #tpu.memory_space<vmem>>
    %dma_wait3A_192 = arith.constant 0 : i32
    %dma_wait3A_193 = arith.constant 0 : i32
    %dma_wait3A_194 = tpu.memref_slice %arg4[%dma_wait3A_187, %dma_wait3A_192, %dma_wait3A_193] : memref<50x4096x128xf32, #tpu.memory_space<hbm>> -> memref<1x4096x128xf32, #tpu.memory_space<hbm>>
    %dma_wait3A_195 = tpu.memref_squeeze %dma_wait3A_194 : memref<1x4096x128xf32, #tpu.memory_space<hbm>> -> memref<4096x128xf32, #tpu.memory_space<hbm>>
    %dma_wait3A_196 = arith.constant 0 : i32
    %dma_wait3A_197 = tpu.memref_slice %dma_wait3A_195[%mul3A_2, %dma_wait3A_196] : memref<4096x128xf32, #tpu.memory_space<hbm>> -> memref<128x128xf32, #tpu.memory_space<hbm>>
    %dma_wait3A_198 = arith.constant 0 : i32
    %dma_wait3A_199 = arith.constant 0 : i32
    %dma_wait3A_200 = tpu.memref_slice %arg4[%dma_wait3A_187, %dma_wait3A_198, %dma_wait3A_199] : memref<50x4096x128xf32, #tpu.memory_space<hbm>> -> memref<1x4096x128xf32, #tpu.memory_space<hbm>>
    %dma_wait3A_201 = tpu.memref_squeeze %dma_wait3A_200 : memref<1x4096x128xf32, #tpu.memory_space<hbm>> -> memref<4096x128xf32, #tpu.memory_space<hbm>>
    %dma_wait3A_202 = arith.constant 0 : i32
    %dma_wait3A_203 = tpu.memref_slice %dma_wait3A_201[%mul3A_2, %dma_wait3A_202] : memref<4096x128xf32, #tpu.memory_space<hbm>> -> memref<128x128xf32, #tpu.memory_space<hbm>>
    %dma_wait3A_204 = arith.constant 0 : i32
    %dma_wait3A_205 = arith.constant 0 : i32
    %dma_wait3A_206 = tpu.memref_slice %arg6[%dma_wait3A_186, %dma_wait3A_204, %dma_wait3A_205] : memref<6x128x128xf32, #tpu.memory_space<vmem>> -> memref<1x128x128xf32, #tpu.memory_space<vmem>>
    %dma_wait3A_207 = tpu.memref_squeeze %dma_wait3A_206 : memref<1x128x128xf32, #tpu.memory_space<vmem>> -> memref<128x128xf32, #tpu.memory_space<vmem>>
    tpu.wait_dma2 semaphore(%arg14 : memref<!tpu.dma_semaphore, #tpu.memory_space<semaphore_mem>>) src(%dma_wait3A_207 : memref<128x128xf32, #tpu.memory_space<vmem>>) dst(%dma_wait3A_203 : memref<128x128xf32, #tpu.memory_space<hbm>>)
    %dma_start3A_208 = arith.constant 49 : i32
    %dma_start3A_209 = arith.constant 1 : i32
    %dma_start3A_210 = arith.constant 0 : i32
    %dma_start3A_211 = arith.constant 0 : i32
    %dma_start3A_212 = tpu.memref_slice %arg6[%dma_start3A_209, %dma_start3A_210, %dma_start3A_211] : memref<6x128x128xf32, #tpu.memory_space<vmem>> -> memref<1x128x128xf32, #tpu.memory_space<vmem>>
    %dma_start3A_213 = tpu.memref_squeeze %dma_start3A_212 : memref<1x128x128xf32, #tpu.memory_space<vmem>> -> memref<128x128xf32, #tpu.memory_space<vmem>>
    %dma_start3A_214 = arith.constant 0 : i32
    %dma_start3A_215 = tpu.memref_slice %arg5[%dma_start3A_208, %dma_start3A_214] : memref<50x128xi32, #tpu.memory_space<vmem>> -> memref<1x128xi32, #tpu.memory_space<vmem>>
    %dma_start3A_216 = tpu.memref_squeeze %dma_start3A_215 : memref<1x128xi32, #tpu.memory_space<vmem>> -> memref<128xi32, #tpu.memory_space<vmem>>
    %dma_start3A_217 = arith.constant 0 : i32
    %dma_start3A_218 = arith.constant 0 : i32
    %dma_start3A_219 = tpu.memref_slice %arg2[%dma_start3A_217, %dma_start3A_218] : memref<100000x128xf32, #tpu.memory_space<hbm>> -> memref<100000x128xf32, #tpu.memory_space<hbm>>
    tpu.enqueue_indirect_dma source(%dma_start3A_219 : memref<100000x128xf32, #tpu.memory_space<hbm>>) target(%dma_start3A_213 : memref<128x128xf32, #tpu.memory_space<vmem>>) offsets(%dma_start3A_216 : memref<128xi32, #tpu.memory_space<vmem>>) semaphore(%arg8 : memref<!tpu.dma_semaphore, #tpu.memory_space<semaphore_mem>>)
    %dma_wait3A_220 = arith.constant 2 : i32
    %dma_wait3A_221 = arith.constant 0 : i32
    %dma_wait3A_222 = arith.constant 0 : i32
    %dma_wait3A_223 = tpu.memref_slice %arg6[%dma_wait3A_220, %dma_wait3A_221, %dma_wait3A_222] : memref<6x128x128xf32, #tpu.memory_space<vmem>> -> memref<1x128x128xf32, #tpu.memory_space<vmem>>
    %dma_wait3A_224 = tpu.memref_squeeze %dma_wait3A_223 : memref<1x128x128xf32, #tpu.memory_space<vmem>> -> memref<128x128xf32, #tpu.memory_space<vmem>>
    %dma_wait3A_225 = arith.constant 0 : i32
    %dma_wait3A_226 = arith.constant 0 : i32
    %dma_wait3A_227 = tpu.memref_slice %arg2[%dma_wait3A_225, %dma_wait3A_226] : memref<100000x128xf32, #tpu.memory_space<hbm>> -> memref<128x128xf32, #tpu.memory_space<hbm>>
    %dma_wait3A_228 = arith.constant 0 : i32
    %dma_wait3A_229 = arith.constant 0 : i32
    %dma_wait3A_230 = tpu.memref_slice %arg6[%dma_wait3A_220, %dma_wait3A_228, %dma_wait3A_229] : memref<6x128x128xf32, #tpu.memory_space<vmem>> -> memref<1x128x128xf32, #tpu.memory_space<vmem>>
    %dma_wait3A_231 = tpu.memref_squeeze %dma_wait3A_230 : memref<1x128x128xf32, #tpu.memory_space<vmem>> -> memref<128x128xf32, #tpu.memory_space<vmem>>
    %dma_wait3A_232 = arith.constant 0 : i32
    %dma_wait3A_233 = arith.constant 0 : i32
    %dma_wait3A_234 = tpu.memref_slice %arg2[%dma_wait3A_232, %dma_wait3A_233] : memref<100000x128xf32, #tpu.memory_space<hbm>> -> memref<128x128xf32, #tpu.memory_space<hbm>>
    tpu.wait_dma2 semaphore(%arg9 : memref<!tpu.dma_semaphore, #tpu.memory_space<semaphore_mem>>) src(%dma_wait3A_234 : memref<128x128xf32, #tpu.memory_space<hbm>>) dst(%dma_wait3A_231 : memref<128x128xf32, #tpu.memory_space<vmem>>)
    %dma_start3A_235 = arith.constant 2 : i32
    %dma_start3A_236 = arith.constant 44 : i32
    %dma_start3A_237 = arith.constant 0 : i32
    %dma_start3A_238 = arith.constant 0 : i32
    %dma_start3A_239 = tpu.memref_slice %arg6[%dma_start3A_235, %dma_start3A_237, %dma_start3A_238] : memref<6x128x128xf32, #tpu.memory_space<vmem>> -> memref<1x128x128xf32, #tpu.memory_space<vmem>>
    %dma_start3A_240 = tpu.memref_squeeze %dma_start3A_239 : memref<1x128x128xf32, #tpu.memory_space<vmem>> -> memref<128x128xf32, #tpu.memory_space<vmem>>
    %dma_start3A_241 = arith.constant 0 : i32
    %dma_start3A_242 = arith.constant 0 : i32
    %dma_start3A_243 = tpu.memref_slice %arg4[%dma_start3A_236, %dma_start3A_241, %dma_start3A_242] : memref<50x4096x128xf32, #tpu.memory_space<hbm>> -> memref<1x4096x128xf32, #tpu.memory_space<hbm>>
    %dma_start3A_244 = tpu.memref_squeeze %dma_start3A_243 : memref<1x4096x128xf32, #tpu.memory_space<hbm>> -> memref<4096x128xf32, #tpu.memory_space<hbm>>
    %dma_start3A_245 = arith.constant 0 : i32
    %dma_start3A_246 = tpu.memref_slice %dma_start3A_244[%mul3A_2, %dma_start3A_245] : memref<4096x128xf32, #tpu.memory_space<hbm>> -> memref<128x128xf32, #tpu.memory_space<hbm>>
    %dma_start3A_247 = arith.constant 0 : i32
    %dma_start3A_248 = arith.constant 0 : i32
    %dma_start3A_249 = tpu.memref_slice %arg4[%dma_start3A_236, %dma_start3A_247, %dma_start3A_248] : memref<50x4096x128xf32, #tpu.memory_space<hbm>> -> memref<1x4096x128xf32, #tpu.memory_space<hbm>>
    %dma_start3A_250 = tpu.memref_squeeze %dma_start3A_249 : memref<1x4096x128xf32, #tpu.memory_space<hbm>> -> memref<4096x128xf32, #tpu.memory_space<hbm>>
    %dma_start3A_251 = arith.constant 0 : i32
    %dma_start3A_252 = tpu.memref_slice %dma_start3A_250[%mul3A_2, %dma_start3A_251] : memref<4096x128xf32, #tpu.memory_space<hbm>> -> memref<128x128xf32, #tpu.memory_space<hbm>>
    %dma_start3A_253 = arith.constant 0 : i32
    %dma_start3A_254 = arith.constant 0 : i32
    %dma_start3A_255 = tpu.memref_slice %arg6[%dma_start3A_235, %dma_start3A_253, %dma_start3A_254] : memref<6x128x128xf32, #tpu.memory_space<vmem>> -> memref<1x128x128xf32, #tpu.memory_space<vmem>>
    %dma_start3A_256 = tpu.memref_squeeze %dma_start3A_255 : memref<1x128x128xf32, #tpu.memory_space<vmem>> -> memref<128x128xf32, #tpu.memory_space<vmem>>
    tpu.enqueue_dma source(%dma_start3A_256 : memref<128x128xf32, #tpu.memory_space<vmem>>) target(%dma_start3A_252 : memref<128x128xf32, #tpu.memory_space<hbm>>) target_semaphore(%arg15 : memref<!tpu.dma_semaphore, #tpu.memory_space<semaphore_mem>>)
    %dma_wait3A_257 = arith.constant 3 : i32
    %dma_wait3A_258 = arith.constant 0 : i32
    %dma_wait3A_259 = arith.constant 0 : i32
    %dma_wait3A_260 = tpu.memref_slice %arg6[%dma_wait3A_257, %dma_wait3A_258, %dma_wait3A_259] : memref<6x128x128xf32, #tpu.memory_space<vmem>> -> memref<1x128x128xf32, #tpu.memory_space<vmem>>
    %dma_wait3A_261 = tpu.memref_squeeze %dma_wait3A_260 : memref<1x128x128xf32, #tpu.memory_space<vmem>> -> memref<128x128xf32, #tpu.memory_space<vmem>>
    %dma_wait3A_262 = arith.constant 0 : i32
    %dma_wait3A_263 = arith.constant 0 : i32
    %dma_wait3A_264 = tpu.memref_slice %arg2[%dma_wait3A_262, %dma_wait3A_263] : memref<100000x128xf32, #tpu.memory_space<hbm>> -> memref<128x128xf32, #tpu.memory_space<hbm>>
    %dma_wait3A_265 = arith.constant 0 : i32
    %dma_wait3A_266 = arith.constant 0 : i32
    %dma_wait3A_267 = tpu.memref_slice %arg6[%dma_wait3A_257, %dma_wait3A_265, %dma_wait3A_266] : memref<6x128x128xf32, #tpu.memory_space<vmem>> -> memref<1x128x128xf32, #tpu.memory_space<vmem>>
    %dma_wait3A_268 = tpu.memref_squeeze %dma_wait3A_267 : memref<1x128x128xf32, #tpu.memory_space<vmem>> -> memref<128x128xf32, #tpu.memory_space<vmem>>
    %dma_wait3A_269 = arith.constant 0 : i32
    %dma_wait3A_270 = arith.constant 0 : i32
    %dma_wait3A_271 = tpu.memref_slice %arg2[%dma_wait3A_269, %dma_wait3A_270] : memref<100000x128xf32, #tpu.memory_space<hbm>> -> memref<128x128xf32, #tpu.memory_space<hbm>>
    tpu.wait_dma2 semaphore(%arg10 : memref<!tpu.dma_semaphore, #tpu.memory_space<semaphore_mem>>) src(%dma_wait3A_271 : memref<128x128xf32, #tpu.memory_space<hbm>>) dst(%dma_wait3A_268 : memref<128x128xf32, #tpu.memory_space<vmem>>)
    %dma_start3A_272 = arith.constant 3 : i32
    %dma_start3A_273 = arith.constant 45 : i32
    %dma_start3A_274 = arith.constant 0 : i32
    %dma_start3A_275 = arith.constant 0 : i32
    %dma_start3A_276 = tpu.memref_slice %arg6[%dma_start3A_272, %dma_start3A_274, %dma_start3A_275] : memref<6x128x128xf32, #tpu.memory_space<vmem>> -> memref<1x128x128xf32, #tpu.memory_space<vmem>>
    %dma_start3A_277 = tpu.memref_squeeze %dma_start3A_276 : memref<1x128x128xf32, #tpu.memory_space<vmem>> -> memref<128x128xf32, #tpu.memory_space<vmem>>
    %dma_start3A_278 = arith.constant 0 : i32
    %dma_start3A_279 = arith.constant 0 : i32
    %dma_start3A_280 = tpu.memref_slice %arg4[%dma_start3A_273, %dma_start3A_278, %dma_start3A_279] : memref<50x4096x128xf32, #tpu.memory_space<hbm>> -> memref<1x4096x128xf32, #tpu.memory_space<hbm>>
    %dma_start3A_281 = tpu.memref_squeeze %dma_start3A_280 : memref<1x4096x128xf32, #tpu.memory_space<hbm>> -> memref<4096x128xf32, #tpu.memory_space<hbm>>
    %dma_start3A_282 = arith.constant 0 : i32
    %dma_start3A_283 = tpu.memref_slice %dma_start3A_281[%mul3A_2, %dma_start3A_282] : memref<4096x128xf32, #tpu.memory_space<hbm>> -> memref<128x128xf32, #tpu.memory_space<hbm>>
    %dma_start3A_284 = arith.constant 0 : i32
    %dma_start3A_285 = arith.constant 0 : i32
    %dma_start3A_286 = tpu.memref_slice %arg4[%dma_start3A_273, %dma_start3A_284, %dma_start3A_285] : memref<50x4096x128xf32, #tpu.memory_space<hbm>> -> memref<1x4096x128xf32, #tpu.memory_space<hbm>>
    %dma_start3A_287 = tpu.memref_squeeze %dma_start3A_286 : memref<1x4096x128xf32, #tpu.memory_space<hbm>> -> memref<4096x128xf32, #tpu.memory_space<hbm>>
    %dma_start3A_288 = arith.constant 0 : i32
    %dma_start3A_289 = tpu.memref_slice %dma_start3A_287[%mul3A_2, %dma_start3A_288] : memref<4096x128xf32, #tpu.memory_space<hbm>> -> memref<128x128xf32, #tpu.memory_space<hbm>>
    %dma_start3A_290 = arith.constant 0 : i32
    %dma_start3A_291 = arith.constant 0 : i32
    %dma_start3A_292 = tpu.memref_slice %arg6[%dma_start3A_272, %dma_start3A_290, %dma_start3A_291] : memref<6x128x128xf32, #tpu.memory_space<vmem>> -> memref<1x128x128xf32, #tpu.memory_space<vmem>>
    %dma_start3A_293 = tpu.memref_squeeze %dma_start3A_292 : memref<1x128x128xf32, #tpu.memory_space<vmem>> -> memref<128x128xf32, #tpu.memory_space<vmem>>
    tpu.enqueue_dma source(%dma_start3A_293 : memref<128x128xf32, #tpu.memory_space<vmem>>) target(%dma_start3A_289 : memref<128x128xf32, #tpu.memory_space<hbm>>) target_semaphore(%arg16 : memref<!tpu.dma_semaphore, #tpu.memory_space<semaphore_mem>>)
    %dma_wait3A_294 = arith.constant 4 : i32
    %dma_wait3A_295 = arith.constant 0 : i32
    %dma_wait3A_296 = arith.constant 0 : i32
    %dma_wait3A_297 = tpu.memref_slice %arg6[%dma_wait3A_294, %dma_wait3A_295, %dma_wait3A_296] : memref<6x128x128xf32, #tpu.memory_space<vmem>> -> memref<1x128x128xf32, #tpu.memory_space<vmem>>
    %dma_wait3A_298 = tpu.memref_squeeze %dma_wait3A_297 : memref<1x128x128xf32, #tpu.memory_space<vmem>> -> memref<128x128xf32, #tpu.memory_space<vmem>>
    %dma_wait3A_299 = arith.constant 0 : i32
    %dma_wait3A_300 = arith.constant 0 : i32
    %dma_wait3A_301 = tpu.memref_slice %arg2[%dma_wait3A_299, %dma_wait3A_300] : memref<100000x128xf32, #tpu.memory_space<hbm>> -> memref<128x128xf32, #tpu.memory_space<hbm>>
    %dma_wait3A_302 = arith.constant 0 : i32
    %dma_wait3A_303 = arith.constant 0 : i32
    %dma_wait3A_304 = tpu.memref_slice %arg6[%dma_wait3A_294, %dma_wait3A_302, %dma_wait3A_303] : memref<6x128x128xf32, #tpu.memory_space<vmem>> -> memref<1x128x128xf32, #tpu.memory_space<vmem>>
    %dma_wait3A_305 = tpu.memref_squeeze %dma_wait3A_304 : memref<1x128x128xf32, #tpu.memory_space<vmem>> -> memref<128x128xf32, #tpu.memory_space<vmem>>
    %dma_wait3A_306 = arith.constant 0 : i32
    %dma_wait3A_307 = arith.constant 0 : i32
    %dma_wait3A_308 = tpu.memref_slice %arg2[%dma_wait3A_306, %dma_wait3A_307] : memref<100000x128xf32, #tpu.memory_space<hbm>> -> memref<128x128xf32, #tpu.memory_space<hbm>>
    tpu.wait_dma2 semaphore(%arg11 : memref<!tpu.dma_semaphore, #tpu.memory_space<semaphore_mem>>) src(%dma_wait3A_308 : memref<128x128xf32, #tpu.memory_space<hbm>>) dst(%dma_wait3A_305 : memref<128x128xf32, #tpu.memory_space<vmem>>)
    %dma_start3A_309 = arith.constant 4 : i32
    %dma_start3A_310 = arith.constant 46 : i32
    %dma_start3A_311 = arith.constant 0 : i32
    %dma_start3A_312 = arith.constant 0 : i32
    %dma_start3A_313 = tpu.memref_slice %arg6[%dma_start3A_309, %dma_start3A_311, %dma_start3A_312] : memref<6x128x128xf32, #tpu.memory_space<vmem>> -> memref<1x128x128xf32, #tpu.memory_space<vmem>>
    %dma_start3A_314 = tpu.memref_squeeze %dma_start3A_313 : memref<1x128x128xf32, #tpu.memory_space<vmem>> -> memref<128x128xf32, #tpu.memory_space<vmem>>
    %dma_start3A_315 = arith.constant 0 : i32
    %dma_start3A_316 = arith.constant 0 : i32
    %dma_start3A_317 = tpu.memref_slice %arg4[%dma_start3A_310, %dma_start3A_315, %dma_start3A_316] : memref<50x4096x128xf32, #tpu.memory_space<hbm>> -> memref<1x4096x128xf32, #tpu.memory_space<hbm>>
    %dma_start3A_318 = tpu.memref_squeeze %dma_start3A_317 : memref<1x4096x128xf32, #tpu.memory_space<hbm>> -> memref<4096x128xf32, #tpu.memory_space<hbm>>
    %dma_start3A_319 = arith.constant 0 : i32
    %dma_start3A_320 = tpu.memref_slice %dma_start3A_318[%mul3A_2, %dma_start3A_319] : memref<4096x128xf32, #tpu.memory_space<hbm>> -> memref<128x128xf32, #tpu.memory_space<hbm>>
    %dma_start3A_321 = arith.constant 0 : i32
    %dma_start3A_322 = arith.constant 0 : i32
    %dma_start3A_323 = tpu.memref_slice %arg4[%dma_start3A_310, %dma_start3A_321, %dma_start3A_322] : memref<50x4096x128xf32, #tpu.memory_space<hbm>> -> memref<1x4096x128xf32, #tpu.memory_space<hbm>>
    %dma_start3A_324 = tpu.memref_squeeze %dma_start3A_323 : memref<1x4096x128xf32, #tpu.memory_space<hbm>> -> memref<4096x128xf32, #tpu.memory_space<hbm>>
    %dma_start3A_325 = arith.constant 0 : i32
    %dma_start3A_326 = tpu.memref_slice %dma_start3A_324[%mul3A_2, %dma_start3A_325] : memref<4096x128xf32, #tpu.memory_space<hbm>> -> memref<128x128xf32, #tpu.memory_space<hbm>>
    %dma_start3A_327 = arith.constant 0 : i32
    %dma_start3A_328 = arith.constant 0 : i32
    %dma_start3A_329 = tpu.memref_slice %arg6[%dma_start3A_309, %dma_start3A_327, %dma_start3A_328] : memref<6x128x128xf32, #tpu.memory_space<vmem>> -> memref<1x128x128xf32, #tpu.memory_space<vmem>>
    %dma_start3A_330 = tpu.memref_squeeze %dma_start3A_329 : memref<1x128x128xf32, #tpu.memory_space<vmem>> -> memref<128x128xf32, #tpu.memory_space<vmem>>
    tpu.enqueue_dma source(%dma_start3A_330 : memref<128x128xf32, #tpu.memory_space<vmem>>) target(%dma_start3A_326 : memref<128x128xf32, #tpu.memory_space<hbm>>) target_semaphore(%arg17 : memref<!tpu.dma_semaphore, #tpu.memory_space<semaphore_mem>>)
    %dma_wait3A_331 = arith.constant 5 : i32
    %dma_wait3A_332 = arith.constant 0 : i32
    %dma_wait3A_333 = arith.constant 0 : i32
    %dma_wait3A_334 = tpu.memref_slice %arg6[%dma_wait3A_331, %dma_wait3A_332, %dma_wait3A_333] : memref<6x128x128xf32, #tpu.memory_space<vmem>> -> memref<1x128x128xf32, #tpu.memory_space<vmem>>
    %dma_wait3A_335 = tpu.memref_squeeze %dma_wait3A_334 : memref<1x128x128xf32, #tpu.memory_space<vmem>> -> memref<128x128xf32, #tpu.memory_space<vmem>>
    %dma_wait3A_336 = arith.constant 0 : i32
    %dma_wait3A_337 = arith.constant 0 : i32
    %dma_wait3A_338 = tpu.memref_slice %arg2[%dma_wait3A_336, %dma_wait3A_337] : memref<100000x128xf32, #tpu.memory_space<hbm>> -> memref<128x128xf32, #tpu.memory_space<hbm>>
    %dma_wait3A_339 = arith.constant 0 : i32
    %dma_wait3A_340 = arith.constant 0 : i32
    %dma_wait3A_341 = tpu.memref_slice %arg6[%dma_wait3A_331, %dma_wait3A_339, %dma_wait3A_340] : memref<6x128x128xf32, #tpu.memory_space<vmem>> -> memref<1x128x128xf32, #tpu.memory_space<vmem>>
    %dma_wait3A_342 = tpu.memref_squeeze %dma_wait3A_341 : memref<1x128x128xf32, #tpu.memory_space<vmem>> -> memref<128x128xf32, #tpu.memory_space<vmem>>
    %dma_wait3A_343 = arith.constant 0 : i32
    %dma_wait3A_344 = arith.constant 0 : i32
    %dma_wait3A_345 = tpu.memref_slice %arg2[%dma_wait3A_343, %dma_wait3A_344] : memref<100000x128xf32, #tpu.memory_space<hbm>> -> memref<128x128xf32, #tpu.memory_space<hbm>>
    tpu.wait_dma2 semaphore(%arg12 : memref<!tpu.dma_semaphore, #tpu.memory_space<semaphore_mem>>) src(%dma_wait3A_345 : memref<128x128xf32, #tpu.memory_space<hbm>>) dst(%dma_wait3A_342 : memref<128x128xf32, #tpu.memory_space<vmem>>)
    %dma_start3A_346 = arith.constant 5 : i32
    %dma_start3A_347 = arith.constant 47 : i32
    %dma_start3A_348 = arith.constant 0 : i32
    %dma_start3A_349 = arith.constant 0 : i32
    %dma_start3A_350 = tpu.memref_slice %arg6[%dma_start3A_346, %dma_start3A_348, %dma_start3A_349] : memref<6x128x128xf32, #tpu.memory_space<vmem>> -> memref<1x128x128xf32, #tpu.memory_space<vmem>>
    %dma_start3A_351 = tpu.memref_squeeze %dma_start3A_350 : memref<1x128x128xf32, #tpu.memory_space<vmem>> -> memref<128x128xf32, #tpu.memory_space<vmem>>
    %dma_start3A_352 = arith.constant 0 : i32
    %dma_start3A_353 = arith.constant 0 : i32
    %dma_start3A_354 = tpu.memref_slice %arg4[%dma_start3A_347, %dma_start3A_352, %dma_start3A_353] : memref<50x4096x128xf32, #tpu.memory_space<hbm>> -> memref<1x4096x128xf32, #tpu.memory_space<hbm>>
    %dma_start3A_355 = tpu.memref_squeeze %dma_start3A_354 : memref<1x4096x128xf32, #tpu.memory_space<hbm>> -> memref<4096x128xf32, #tpu.memory_space<hbm>>
    %dma_start3A_356 = arith.constant 0 : i32
    %dma_start3A_357 = tpu.memref_slice %dma_start3A_355[%mul3A_2, %dma_start3A_356] : memref<4096x128xf32, #tpu.memory_space<hbm>> -> memref<128x128xf32, #tpu.memory_space<hbm>>
    %dma_start3A_358 = arith.constant 0 : i32
    %dma_start3A_359 = arith.constant 0 : i32
    %dma_start3A_360 = tpu.memref_slice %arg4[%dma_start3A_347, %dma_start3A_358, %dma_start3A_359] : memref<50x4096x128xf32, #tpu.memory_space<hbm>> -> memref<1x4096x128xf32, #tpu.memory_space<hbm>>
    %dma_start3A_361 = tpu.memref_squeeze %dma_start3A_360 : memref<1x4096x128xf32, #tpu.memory_space<hbm>> -> memref<4096x128xf32, #tpu.memory_space<hbm>>
    %dma_start3A_362 = arith.constant 0 : i32
    %dma_start3A_363 = tpu.memref_slice %dma_start3A_361[%mul3A_2, %dma_start3A_362] : memref<4096x128xf32, #tpu.memory_space<hbm>> -> memref<128x128xf32, #tpu.memory_space<hbm>>
    %dma_start3A_364 = arith.constant 0 : i32
    %dma_start3A_365 = arith.constant 0 : i32
    %dma_start3A_366 = tpu.memref_slice %arg6[%dma_start3A_346, %dma_start3A_364, %dma_start3A_365] : memref<6x128x128xf32, #tpu.memory_space<vmem>> -> memref<1x128x128xf32, #tpu.memory_space<vmem>>
    %dma_start3A_367 = tpu.memref_squeeze %dma_start3A_366 : memref<1x128x128xf32, #tpu.memory_space<vmem>> -> memref<128x128xf32, #tpu.memory_space<vmem>>
    tpu.enqueue_dma source(%dma_start3A_367 : memref<128x128xf32, #tpu.memory_space<vmem>>) target(%dma_start3A_363 : memref<128x128xf32, #tpu.memory_space<hbm>>) target_semaphore(%arg18 : memref<!tpu.dma_semaphore, #tpu.memory_space<semaphore_mem>>)
    %dma_wait3A_368 = arith.constant 0 : i32
    %dma_wait3A_369 = arith.constant 0 : i32
    %dma_wait3A_370 = arith.constant 0 : i32
    %dma_wait3A_371 = tpu.memref_slice %arg6[%dma_wait3A_368, %dma_wait3A_369, %dma_wait3A_370] : memref<6x128x128xf32, #tpu.memory_space<vmem>> -> memref<1x128x128xf32, #tpu.memory_space<vmem>>
    %dma_wait3A_372 = tpu.memref_squeeze %dma_wait3A_371 : memref<1x128x128xf32, #tpu.memory_space<vmem>> -> memref<128x128xf32, #tpu.memory_space<vmem>>
    %dma_wait3A_373 = arith.constant 0 : i32
    %dma_wait3A_374 = arith.constant 0 : i32
    %dma_wait3A_375 = tpu.memref_slice %arg2[%dma_wait3A_373, %dma_wait3A_374] : memref<100000x128xf32, #tpu.memory_space<hbm>> -> memref<128x128xf32, #tpu.memory_space<hbm>>
    %dma_wait3A_376 = arith.constant 0 : i32
    %dma_wait3A_377 = arith.constant 0 : i32
    %dma_wait3A_378 = tpu.memref_slice %arg6[%dma_wait3A_368, %dma_wait3A_376, %dma_wait3A_377] : memref<6x128x128xf32, #tpu.memory_space<vmem>> -> memref<1x128x128xf32, #tpu.memory_space<vmem>>
    %dma_wait3A_379 = tpu.memref_squeeze %dma_wait3A_378 : memref<1x128x128xf32, #tpu.memory_space<vmem>> -> memref<128x128xf32, #tpu.memory_space<vmem>>
    %dma_wait3A_380 = arith.constant 0 : i32
    %dma_wait3A_381 = arith.constant 0 : i32
    %dma_wait3A_382 = tpu.memref_slice %arg2[%dma_wait3A_380, %dma_wait3A_381] : memref<100000x128xf32, #tpu.memory_space<hbm>> -> memref<128x128xf32, #tpu.memory_space<hbm>>
    tpu.wait_dma2 semaphore(%arg7 : memref<!tpu.dma_semaphore, #tpu.memory_space<semaphore_mem>>) src(%dma_wait3A_382 : memref<128x128xf32, #tpu.memory_space<hbm>>) dst(%dma_wait3A_379 : memref<128x128xf32, #tpu.memory_space<vmem>>)
    %dma_start3A_383 = arith.constant 0 : i32
    %dma_start3A_384 = arith.constant 48 : i32
    %dma_start3A_385 = arith.constant 0 : i32
    %dma_start3A_386 = arith.constant 0 : i32
    %dma_start3A_387 = tpu.memref_slice %arg6[%dma_start3A_383, %dma_start3A_385, %dma_start3A_386] : memref<6x128x128xf32, #tpu.memory_space<vmem>> -> memref<1x128x128xf32, #tpu.memory_space<vmem>>
    %dma_start3A_388 = tpu.memref_squeeze %dma_start3A_387 : memref<1x128x128xf32, #tpu.memory_space<vmem>> -> memref<128x128xf32, #tpu.memory_space<vmem>>
    %dma_start3A_389 = arith.constant 0 : i32
    %dma_start3A_390 = arith.constant 0 : i32
    %dma_start3A_391 = tpu.memref_slice %arg4[%dma_start3A_384, %dma_start3A_389, %dma_start3A_390] : memref<50x4096x128xf32, #tpu.memory_space<hbm>> -> memref<1x4096x128xf32, #tpu.memory_space<hbm>>
    %dma_start3A_392 = tpu.memref_squeeze %dma_start3A_391 : memref<1x4096x128xf32, #tpu.memory_space<hbm>> -> memref<4096x128xf32, #tpu.memory_space<hbm>>
    %dma_start3A_393 = arith.constant 0 : i32
    %dma_start3A_394 = tpu.memref_slice %dma_start3A_392[%mul3A_2, %dma_start3A_393] : memref<4096x128xf32, #tpu.memory_space<hbm>> -> memref<128x128xf32, #tpu.memory_space<hbm>>
    %dma_start3A_395 = arith.constant 0 : i32
    %dma_start3A_396 = arith.constant 0 : i32
    %dma_start3A_397 = tpu.memref_slice %arg4[%dma_start3A_384, %dma_start3A_395, %dma_start3A_396] : memref<50x4096x128xf32, #tpu.memory_space<hbm>> -> memref<1x4096x128xf32, #tpu.memory_space<hbm>>
    %dma_start3A_398 = tpu.memref_squeeze %dma_start3A_397 : memref<1x4096x128xf32, #tpu.memory_space<hbm>> -> memref<4096x128xf32, #tpu.memory_space<hbm>>
    %dma_start3A_399 = arith.constant 0 : i32
    %dma_start3A_400 = tpu.memref_slice %dma_start3A_398[%mul3A_2, %dma_start3A_399] : memref<4096x128xf32, #tpu.memory_space<hbm>> -> memref<128x128xf32, #tpu.memory_space<hbm>>
    %dma_start3A_401 = arith.constant 0 : i32
    %dma_start3A_402 = arith.constant 0 : i32
    %dma_start3A_403 = tpu.memref_slice %arg6[%dma_start3A_383, %dma_start3A_401, %dma_start3A_402] : memref<6x128x128xf32, #tpu.memory_space<vmem>> -> memref<1x128x128xf32, #tpu.memory_space<vmem>>
    %dma_start3A_404 = tpu.memref_squeeze %dma_start3A_403 : memref<1x128x128xf32, #tpu.memory_space<vmem>> -> memref<128x128xf32, #tpu.memory_space<vmem>>
    tpu.enqueue_dma source(%dma_start3A_404 : memref<128x128xf32, #tpu.memory_space<vmem>>) target(%dma_start3A_400 : memref<128x128xf32, #tpu.memory_space<hbm>>) target_semaphore(%arg13 : memref<!tpu.dma_semaphore, #tpu.memory_space<semaphore_mem>>)
    %dma_wait3A_405 = arith.constant 1 : i32
    %dma_wait3A_406 = arith.constant 0 : i32
    %dma_wait3A_407 = arith.constant 0 : i32
    %dma_wait3A_408 = tpu.memref_slice %arg6[%dma_wait3A_405, %dma_wait3A_406, %dma_wait3A_407] : memref<6x128x128xf32, #tpu.memory_space<vmem>> -> memref<1x128x128xf32, #tpu.memory_space<vmem>>
    %dma_wait3A_409 = tpu.memref_squeeze %dma_wait3A_408 : memref<1x128x128xf32, #tpu.memory_space<vmem>> -> memref<128x128xf32, #tpu.memory_space<vmem>>
    %dma_wait3A_410 = arith.constant 0 : i32
    %dma_wait3A_411 = arith.constant 0 : i32
    %dma_wait3A_412 = tpu.memref_slice %arg2[%dma_wait3A_410, %dma_wait3A_411] : memref<100000x128xf32, #tpu.memory_space<hbm>> -> memref<128x128xf32, #tpu.memory_space<hbm>>
    %dma_wait3A_413 = arith.constant 0 : i32
    %dma_wait3A_414 = arith.constant 0 : i32
    %dma_wait3A_415 = tpu.memref_slice %arg6[%dma_wait3A_405, %dma_wait3A_413, %dma_wait3A_414] : memref<6x128x128xf32, #tpu.memory_space<vmem>> -> memref<1x128x128xf32, #tpu.memory_space<vmem>>
    %dma_wait3A_416 = tpu.memref_squeeze %dma_wait3A_415 : memref<1x128x128xf32, #tpu.memory_space<vmem>> -> memref<128x128xf32, #tpu.memory_space<vmem>>
    %dma_wait3A_417 = arith.constant 0 : i32
    %dma_wait3A_418 = arith.constant 0 : i32
    %dma_wait3A_419 = tpu.memref_slice %arg2[%dma_wait3A_417, %dma_wait3A_418] : memref<100000x128xf32, #tpu.memory_space<hbm>> -> memref<128x128xf32, #tpu.memory_space<hbm>>
    tpu.wait_dma2 semaphore(%arg8 : memref<!tpu.dma_semaphore, #tpu.memory_space<semaphore_mem>>) src(%dma_wait3A_419 : memref<128x128xf32, #tpu.memory_space<hbm>>) dst(%dma_wait3A_416 : memref<128x128xf32, #tpu.memory_space<vmem>>)
    %dma_start3A_420 = arith.constant 1 : i32
    %dma_start3A_421 = arith.constant 49 : i32
    %dma_start3A_422 = arith.constant 0 : i32
    %dma_start3A_423 = arith.constant 0 : i32
    %dma_start3A_424 = tpu.memref_slice %arg6[%dma_start3A_420, %dma_start3A_422, %dma_start3A_423] : memref<6x128x128xf32, #tpu.memory_space<vmem>> -> memref<1x128x128xf32, #tpu.memory_space<vmem>>
    %dma_start3A_425 = tpu.memref_squeeze %dma_start3A_424 : memref<1x128x128xf32, #tpu.memory_space<vmem>> -> memref<128x128xf32, #tpu.memory_space<vmem>>
    %dma_start3A_426 = arith.constant 0 : i32
    %dma_start3A_427 = arith.constant 0 : i32
    %dma_start3A_428 = tpu.memref_slice %arg4[%dma_start3A_421, %dma_start3A_426, %dma_start3A_427] : memref<50x4096x128xf32, #tpu.memory_space<hbm>> -> memref<1x4096x128xf32, #tpu.memory_space<hbm>>
    %dma_start3A_429 = tpu.memref_squeeze %dma_start3A_428 : memref<1x4096x128xf32, #tpu.memory_space<hbm>> -> memref<4096x128xf32, #tpu.memory_space<hbm>>
    %dma_start3A_430 = arith.constant 0 : i32
    %dma_start3A_431 = tpu.memref_slice %dma_start3A_429[%mul3A_2, %dma_start3A_430] : memref<4096x128xf32, #tpu.memory_space<hbm>> -> memref<128x128xf32, #tpu.memory_space<hbm>>
    %dma_start3A_432 = arith.constant 0 : i32
    %dma_start3A_433 = arith.constant 0 : i32
    %dma_start3A_434 = tpu.memref_slice %arg4[%dma_start3A_421, %dma_start3A_432, %dma_start3A_433] : memref<50x4096x128xf32, #tpu.memory_space<hbm>> -> memref<1x4096x128xf32, #tpu.memory_space<hbm>>
    %dma_start3A_435 = tpu.memref_squeeze %dma_start3A_434 : memref<1x4096x128xf32, #tpu.memory_space<hbm>> -> memref<4096x128xf32, #tpu.memory_space<hbm>>
    %dma_start3A_436 = arith.constant 0 : i32
    %dma_start3A_437 = tpu.memref_slice %dma_start3A_435[%mul3A_2, %dma_start3A_436] : memref<4096x128xf32, #tpu.memory_space<hbm>> -> memref<128x128xf32, #tpu.memory_space<hbm>>
    %dma_start3A_438 = arith.constant 0 : i32
    %dma_start3A_439 = arith.constant 0 : i32
    %dma_start3A_440 = tpu.memref_slice %arg6[%dma_start3A_420, %dma_start3A_438, %dma_start3A_439] : memref<6x128x128xf32, #tpu.memory_space<vmem>> -> memref<1x128x128xf32, #tpu.memory_space<vmem>>
    %dma_start3A_441 = tpu.memref_squeeze %dma_start3A_440 : memref<1x128x128xf32, #tpu.memory_space<vmem>> -> memref<128x128xf32, #tpu.memory_space<vmem>>
    tpu.enqueue_dma source(%dma_start3A_441 : memref<128x128xf32, #tpu.memory_space<vmem>>) target(%dma_start3A_437 : memref<128x128xf32, #tpu.memory_space<hbm>>) target_semaphore(%arg14 : memref<!tpu.dma_semaphore, #tpu.memory_space<semaphore_mem>>)
    %dma_wait3A_442 = arith.constant 0 : i32
    %dma_wait3A_443 = arith.constant 0 : i32
    %dma_wait3A_444 = arith.constant 0 : i32
    %dma_wait3A_445 = arith.constant 0 : i32
    %dma_wait3A_446 = tpu.memref_slice %arg6[%dma_wait3A_442, %dma_wait3A_444, %dma_wait3A_445] : memref<6x128x128xf32, #tpu.memory_space<vmem>> -> memref<1x128x128xf32, #tpu.memory_space<vmem>>
    %dma_wait3A_447 = tpu.memref_squeeze %dma_wait3A_446 : memref<1x128x128xf32, #tpu.memory_space<vmem>> -> memref<128x128xf32, #tpu.memory_space<vmem>>
    %dma_wait3A_448 = arith.constant 0 : i32
    %dma_wait3A_449 = arith.constant 0 : i32
    %dma_wait3A_450 = tpu.memref_slice %arg4[%dma_wait3A_443, %dma_wait3A_448, %dma_wait3A_449] : memref<50x4096x128xf32, #tpu.memory_space<hbm>> -> memref<1x4096x128xf32, #tpu.memory_space<hbm>>
    %dma_wait3A_451 = tpu.memref_squeeze %dma_wait3A_450 : memref<1x4096x128xf32, #tpu.memory_space<hbm>> -> memref<4096x128xf32, #tpu.memory_space<hbm>>
    %dma_wait3A_452 = arith.constant 0 : i32
    %dma_wait3A_453 = tpu.memref_slice %dma_wait3A_451[%mul3A_2, %dma_wait3A_452] : memref<4096x128xf32, #tpu.memory_space<hbm>> -> memref<128x128xf32, #tpu.memory_space<hbm>>
    %dma_wait3A_454 = arith.constant 0 : i32
    %dma_wait3A_455 = arith.constant 0 : i32
    %dma_wait3A_456 = tpu.memref_slice %arg4[%dma_wait3A_443, %dma_wait3A_454, %dma_wait3A_455] : memref<50x4096x128xf32, #tpu.memory_space<hbm>> -> memref<1x4096x128xf32, #tpu.memory_space<hbm>>
    %dma_wait3A_457 = tpu.memref_squeeze %dma_wait3A_456 : memref<1x4096x128xf32, #tpu.memory_space<hbm>> -> memref<4096x128xf32, #tpu.memory_space<hbm>>
    %dma_wait3A_458 = arith.constant 0 : i32
    %dma_wait3A_459 = tpu.memref_slice %dma_wait3A_457[%mul3A_2, %dma_wait3A_458] : memref<4096x128xf32, #tpu.memory_space<hbm>> -> memref<128x128xf32, #tpu.memory_space<hbm>>
    %dma_wait3A_460 = arith.constant 0 : i32
    %dma_wait3A_461 = arith.constant 0 : i32
    %dma_wait3A_462 = tpu.memref_slice %arg6[%dma_wait3A_442, %dma_wait3A_460, %dma_wait3A_461] : memref<6x128x128xf32, #tpu.memory_space<vmem>> -> memref<1x128x128xf32, #tpu.memory_space<vmem>>
    %dma_wait3A_463 = tpu.memref_squeeze %dma_wait3A_462 : memref<1x128x128xf32, #tpu.memory_space<vmem>> -> memref<128x128xf32, #tpu.memory_space<vmem>>
    tpu.wait_dma2 semaphore(%arg13 : memref<!tpu.dma_semaphore, #tpu.memory_space<semaphore_mem>>) src(%dma_wait3A_463 : memref<128x128xf32, #tpu.memory_space<vmem>>) dst(%dma_wait3A_459 : memref<128x128xf32, #tpu.memory_space<hbm>>)
    %dma_wait3A_464 = arith.constant 1 : i32
    %dma_wait3A_465 = arith.constant 0 : i32
    %dma_wait3A_466 = arith.constant 0 : i32
    %dma_wait3A_467 = arith.constant 0 : i32
    %dma_wait3A_468 = tpu.memref_slice %arg6[%dma_wait3A_464, %dma_wait3A_466, %dma_wait3A_467] : memref<6x128x128xf32, #tpu.memory_space<vmem>> -> memref<1x128x128xf32, #tpu.memory_space<vmem>>
    %dma_wait3A_469 = tpu.memref_squeeze %dma_wait3A_468 : memref<1x128x128xf32, #tpu.memory_space<vmem>> -> memref<128x128xf32, #tpu.memory_space<vmem>>
    %dma_wait3A_470 = arith.constant 0 : i32
    %dma_wait3A_471 = arith.constant 0 : i32
    %dma_wait3A_472 = tpu.memref_slice %arg4[%dma_wait3A_465, %dma_wait3A_470, %dma_wait3A_471] : memref<50x4096x128xf32, #tpu.memory_space<hbm>> -> memref<1x4096x128xf32, #tpu.memory_space<hbm>>
    %dma_wait3A_473 = tpu.memref_squeeze %dma_wait3A_472 : memref<1x4096x128xf32, #tpu.memory_space<hbm>> -> memref<4096x128xf32, #tpu.memory_space<hbm>>
    %dma_wait3A_474 = arith.constant 0 : i32
    %dma_wait3A_475 = tpu.memref_slice %dma_wait3A_473[%mul3A_2, %dma_wait3A_474] : memref<4096x128xf32, #tpu.memory_space<hbm>> -> memref<128x128xf32, #tpu.memory_space<hbm>>
    %dma_wait3A_476 = arith.constant 0 : i32
    %dma_wait3A_477 = arith.constant 0 : i32
    %dma_wait3A_478 = tpu.memref_slice %arg4[%dma_wait3A_465, %dma_wait3A_476, %dma_wait3A_477] : memref<50x4096x128xf32, #tpu.memory_space<hbm>> -> memref<1x4096x128xf32, #tpu.memory_space<hbm>>
    %dma_wait3A_479 = tpu.memref_squeeze %dma_wait3A_478 : memref<1x4096x128xf32, #tpu.memory_space<hbm>> -> memref<4096x128xf32, #tpu.memory_space<hbm>>
    %dma_wait3A_480 = arith.constant 0 : i32
    %dma_wait3A_481 = tpu.memref_slice %dma_wait3A_479[%mul3A_2, %dma_wait3A_480] : memref<4096x128xf32, #tpu.memory_space<hbm>> -> memref<128x128xf32, #tpu.memory_space<hbm>>
    %dma_wait3A_482 = arith.constant 0 : i32
    %dma_wait3A_483 = arith.constant 0 : i32
    %dma_wait3A_484 = tpu.memref_slice %arg6[%dma_wait3A_464, %dma_wait3A_482, %dma_wait3A_483] : memref<6x128x128xf32, #tpu.memory_space<vmem>> -> memref<1x128x128xf32, #tpu.memory_space<vmem>>
    %dma_wait3A_485 = tpu.memref_squeeze %dma_wait3A_484 : memref<1x128x128xf32, #tpu.memory_space<vmem>> -> memref<128x128xf32, #tpu.memory_space<vmem>>
    tpu.wait_dma2 semaphore(%arg14 : memref<!tpu.dma_semaphore, #tpu.memory_space<semaphore_mem>>) src(%dma_wait3A_485 : memref<128x128xf32, #tpu.memory_space<vmem>>) dst(%dma_wait3A_481 : memref<128x128xf32, #tpu.memory_space<hbm>>)
    %dma_wait3A_486 = arith.constant 2 : i32
    %dma_wait3A_487 = arith.constant 0 : i32
    %dma_wait3A_488 = arith.constant 0 : i32
    %dma_wait3A_489 = arith.constant 0 : i32
    %dma_wait3A_490 = tpu.memref_slice %arg6[%dma_wait3A_486, %dma_wait3A_488, %dma_wait3A_489] : memref<6x128x128xf32, #tpu.memory_space<vmem>> -> memref<1x128x128xf32, #tpu.memory_space<vmem>>
    %dma_wait3A_491 = tpu.memref_squeeze %dma_wait3A_490 : memref<1x128x128xf32, #tpu.memory_space<vmem>> -> memref<128x128xf32, #tpu.memory_space<vmem>>
    %dma_wait3A_492 = arith.constant 0 : i32
    %dma_wait3A_493 = arith.constant 0 : i32
    %dma_wait3A_494 = tpu.memref_slice %arg4[%dma_wait3A_487, %dma_wait3A_492, %dma_wait3A_493] : memref<50x4096x128xf32, #tpu.memory_space<hbm>> -> memref<1x4096x128xf32, #tpu.memory_space<hbm>>
    %dma_wait3A_495 = tpu.memref_squeeze %dma_wait3A_494 : memref<1x4096x128xf32, #tpu.memory_space<hbm>> -> memref<4096x128xf32, #tpu.memory_space<hbm>>
    %dma_wait3A_496 = arith.constant 0 : i32
    %dma_wait3A_497 = tpu.memref_slice %dma_wait3A_495[%mul3A_2, %dma_wait3A_496] : memref<4096x128xf32, #tpu.memory_space<hbm>> -> memref<128x128xf32, #tpu.memory_space<hbm>>
    %dma_wait3A_498 = arith.constant 0 : i32
    %dma_wait3A_499 = arith.constant 0 : i32
    %dma_wait3A_500 = tpu.memref_slice %arg4[%dma_wait3A_487, %dma_wait3A_498, %dma_wait3A_499] : memref<50x4096x128xf32, #tpu.memory_space<hbm>> -> memref<1x4096x128xf32, #tpu.memory_space<hbm>>
    %dma_wait3A_501 = tpu.memref_squeeze %dma_wait3A_500 : memref<1x4096x128xf32, #tpu.memory_space<hbm>> -> memref<4096x128xf32, #tpu.memory_space<hbm>>
    %dma_wait3A_502 = arith.constant 0 : i32
    %dma_wait3A_503 = tpu.memref_slice %dma_wait3A_501[%mul3A_2, %dma_wait3A_502] : memref<4096x128xf32, #tpu.memory_space<hbm>> -> memref<128x128xf32, #tpu.memory_space<hbm>>
    %dma_wait3A_504 = arith.constant 0 : i32
    %dma_wait3A_505 = arith.constant 0 : i32
    %dma_wait3A_506 = tpu.memref_slice %arg6[%dma_wait3A_486, %dma_wait3A_504, %dma_wait3A_505] : memref<6x128x128xf32, #tpu.memory_space<vmem>> -> memref<1x128x128xf32, #tpu.memory_space<vmem>>
    %dma_wait3A_507 = tpu.memref_squeeze %dma_wait3A_506 : memref<1x128x128xf32, #tpu.memory_space<vmem>> -> memref<128x128xf32, #tpu.memory_space<vmem>>
    tpu.wait_dma2 semaphore(%arg15 : memref<!tpu.dma_semaphore, #tpu.memory_space<semaphore_mem>>) src(%dma_wait3A_507 : memref<128x128xf32, #tpu.memory_space<vmem>>) dst(%dma_wait3A_503 : memref<128x128xf32, #tpu.memory_space<hbm>>)
    %dma_wait3A_508 = arith.constant 3 : i32
    %dma_wait3A_509 = arith.constant 0 : i32
    %dma_wait3A_510 = arith.constant 0 : i32
    %dma_wait3A_511 = arith.constant 0 : i32
    %dma_wait3A_512 = tpu.memref_slice %arg6[%dma_wait3A_508, %dma_wait3A_510, %dma_wait3A_511] : memref<6x128x128xf32, #tpu.memory_space<vmem>> -> memref<1x128x128xf32, #tpu.memory_space<vmem>>
    %dma_wait3A_513 = tpu.memref_squeeze %dma_wait3A_512 : memref<1x128x128xf32, #tpu.memory_space<vmem>> -> memref<128x128xf32, #tpu.memory_space<vmem>>
    %dma_wait3A_514 = arith.constant 0 : i32
    %dma_wait3A_515 = arith.constant 0 : i32
    %dma_wait3A_516 = tpu.memref_slice %arg4[%dma_wait3A_509, %dma_wait3A_514, %dma_wait3A_515] : memref<50x4096x128xf32, #tpu.memory_space<hbm>> -> memref<1x4096x128xf32, #tpu.memory_space<hbm>>
    %dma_wait3A_517 = tpu.memref_squeeze %dma_wait3A_516 : memref<1x4096x128xf32, #tpu.memory_space<hbm>> -> memref<4096x128xf32, #tpu.memory_space<hbm>>
    %dma_wait3A_518 = arith.constant 0 : i32
    %dma_wait3A_519 = tpu.memref_slice %dma_wait3A_517[%mul3A_2, %dma_wait3A_518] : memref<4096x128xf32, #tpu.memory_space<hbm>> -> memref<128x128xf32, #tpu.memory_space<hbm>>
    %dma_wait3A_520 = arith.constant 0 : i32
    %dma_wait3A_521 = arith.constant 0 : i32
    %dma_wait3A_522 = tpu.memref_slice %arg4[%dma_wait3A_509, %dma_wait3A_520, %dma_wait3A_521] : memref<50x4096x128xf32, #tpu.memory_space<hbm>> -> memref<1x4096x128xf32, #tpu.memory_space<hbm>>
    %dma_wait3A_523 = tpu.memref_squeeze %dma_wait3A_522 : memref<1x4096x128xf32, #tpu.memory_space<hbm>> -> memref<4096x128xf32, #tpu.memory_space<hbm>>
    %dma_wait3A_524 = arith.constant 0 : i32
    %dma_wait3A_525 = tpu.memref_slice %dma_wait3A_523[%mul3A_2, %dma_wait3A_524] : memref<4096x128xf32, #tpu.memory_space<hbm>> -> memref<128x128xf32, #tpu.memory_space<hbm>>
    %dma_wait3A_526 = arith.constant 0 : i32
    %dma_wait3A_527 = arith.constant 0 : i32
    %dma_wait3A_528 = tpu.memref_slice %arg6[%dma_wait3A_508, %dma_wait3A_526, %dma_wait3A_527] : memref<6x128x128xf32, #tpu.memory_space<vmem>> -> memref<1x128x128xf32, #tpu.memory_space<vmem>>
    %dma_wait3A_529 = tpu.memref_squeeze %dma_wait3A_528 : memref<1x128x128xf32, #tpu.memory_space<vmem>> -> memref<128x128xf32, #tpu.memory_space<vmem>>
    tpu.wait_dma2 semaphore(%arg16 : memref<!tpu.dma_semaphore, #tpu.memory_space<semaphore_mem>>) src(%dma_wait3A_529 : memref<128x128xf32, #tpu.memory_space<vmem>>) dst(%dma_wait3A_525 : memref<128x128xf32, #tpu.memory_space<hbm>>)
    %dma_wait3A_530 = arith.constant 4 : i32
    %dma_wait3A_531 = arith.constant 0 : i32
    %dma_wait3A_532 = arith.constant 0 : i32
    %dma_wait3A_533 = arith.constant 0 : i32
    %dma_wait3A_534 = tpu.memref_slice %arg6[%dma_wait3A_530, %dma_wait3A_532, %dma_wait3A_533] : memref<6x128x128xf32, #tpu.memory_space<vmem>> -> memref<1x128x128xf32, #tpu.memory_space<vmem>>
    %dma_wait3A_535 = tpu.memref_squeeze %dma_wait3A_534 : memref<1x128x128xf32, #tpu.memory_space<vmem>> -> memref<128x128xf32, #tpu.memory_space<vmem>>
    %dma_wait3A_536 = arith.constant 0 : i32
    %dma_wait3A_537 = arith.constant 0 : i32
    %dma_wait3A_538 = tpu.memref_slice %arg4[%dma_wait3A_531, %dma_wait3A_536, %dma_wait3A_537] : memref<50x4096x128xf32, #tpu.memory_space<hbm>> -> memref<1x4096x128xf32, #tpu.memory_space<hbm>>
    %dma_wait3A_539 = tpu.memref_squeeze %dma_wait3A_538 : memref<1x4096x128xf32, #tpu.memory_space<hbm>> -> memref<4096x128xf32, #tpu.memory_space<hbm>>
    %dma_wait3A_540 = arith.constant 0 : i32
    %dma_wait3A_541 = tpu.memref_slice %dma_wait3A_539[%mul3A_2, %dma_wait3A_540] : memref<4096x128xf32, #tpu.memory_space<hbm>> -> memref<128x128xf32, #tpu.memory_space<hbm>>
    %dma_wait3A_542 = arith.constant 0 : i32
    %dma_wait3A_543 = arith.constant 0 : i32
    %dma_wait3A_544 = tpu.memref_slice %arg4[%dma_wait3A_531, %dma_wait3A_542, %dma_wait3A_543] : memref<50x4096x128xf32, #tpu.memory_space<hbm>> -> memref<1x4096x128xf32, #tpu.memory_space<hbm>>
    %dma_wait3A_545 = tpu.memref_squeeze %dma_wait3A_544 : memref<1x4096x128xf32, #tpu.memory_space<hbm>> -> memref<4096x128xf32, #tpu.memory_space<hbm>>
    %dma_wait3A_546 = arith.constant 0 : i32
    %dma_wait3A_547 = tpu.memref_slice %dma_wait3A_545[%mul3A_2, %dma_wait3A_546] : memref<4096x128xf32, #tpu.memory_space<hbm>> -> memref<128x128xf32, #tpu.memory_space<hbm>>
    %dma_wait3A_548 = arith.constant 0 : i32
    %dma_wait3A_549 = arith.constant 0 : i32
    %dma_wait3A_550 = tpu.memref_slice %arg6[%dma_wait3A_530, %dma_wait3A_548, %dma_wait3A_549] : memref<6x128x128xf32, #tpu.memory_space<vmem>> -> memref<1x128x128xf32, #tpu.memory_space<vmem>>
    %dma_wait3A_551 = tpu.memref_squeeze %dma_wait3A_550 : memref<1x128x128xf32, #tpu.memory_space<vmem>> -> memref<128x128xf32, #tpu.memory_space<vmem>>
    tpu.wait_dma2 semaphore(%arg17 : memref<!tpu.dma_semaphore, #tpu.memory_space<semaphore_mem>>) src(%dma_wait3A_551 : memref<128x128xf32, #tpu.memory_space<vmem>>) dst(%dma_wait3A_547 : memref<128x128xf32, #tpu.memory_space<hbm>>)
    %dma_wait3A_552 = arith.constant 5 : i32
    %dma_wait3A_553 = arith.constant 0 : i32
    %dma_wait3A_554 = arith.constant 0 : i32
    %dma_wait3A_555 = arith.constant 0 : i32
    %dma_wait3A_556 = tpu.memref_slice %arg6[%dma_wait3A_552, %dma_wait3A_554, %dma_wait3A_555] : memref<6x128x128xf32, #tpu.memory_space<vmem>> -> memref<1x128x128xf32, #tpu.memory_space<vmem>>
    %dma_wait3A_557 = tpu.memref_squeeze %dma_wait3A_556 : memref<1x128x128xf32, #tpu.memory_space<vmem>> -> memref<128x128xf32, #tpu.memory_space<vmem>>
    %dma_wait3A_558 = arith.constant 0 : i32
    %dma_wait3A_559 = arith.constant 0 : i32
    %dma_wait3A_560 = tpu.memref_slice %arg4[%dma_wait3A_553, %dma_wait3A_558, %dma_wait3A_559] : memref<50x4096x128xf32, #tpu.memory_space<hbm>> -> memref<1x4096x128xf32, #tpu.memory_space<hbm>>
    %dma_wait3A_561 = tpu.memref_squeeze %dma_wait3A_560 : memref<1x4096x128xf32, #tpu.memory_space<hbm>> -> memref<4096x128xf32, #tpu.memory_space<hbm>>
    %dma_wait3A_562 = arith.constant 0 : i32
    %dma_wait3A_563 = tpu.memref_slice %dma_wait3A_561[%mul3A_2, %dma_wait3A_562] : memref<4096x128xf32, #tpu.memory_space<hbm>> -> memref<128x128xf32, #tpu.memory_space<hbm>>
    %dma_wait3A_564 = arith.constant 0 : i32
    %dma_wait3A_565 = arith.constant 0 : i32
    %dma_wait3A_566 = tpu.memref_slice %arg4[%dma_wait3A_553, %dma_wait3A_564, %dma_wait3A_565] : memref<50x4096x128xf32, #tpu.memory_space<hbm>> -> memref<1x4096x128xf32, #tpu.memory_space<hbm>>
    %dma_wait3A_567 = tpu.memref_squeeze %dma_wait3A_566 : memref<1x4096x128xf32, #tpu.memory_space<hbm>> -> memref<4096x128xf32, #tpu.memory_space<hbm>>
    %dma_wait3A_568 = arith.constant 0 : i32
    %dma_wait3A_569 = tpu.memref_slice %dma_wait3A_567[%mul3A_2, %dma_wait3A_568] : memref<4096x128xf32, #tpu.memory_space<hbm>> -> memref<128x128xf32, #tpu.memory_space<hbm>>
    %dma_wait3A_570 = arith.constant 0 : i32
    %dma_wait3A_571 = arith.constant 0 : i32
    %dma_wait3A_572 = tpu.memref_slice %arg6[%dma_wait3A_552, %dma_wait3A_570, %dma_wait3A_571] : memref<6x128x128xf32, #tpu.memory_space<vmem>> -> memref<1x128x128xf32, #tpu.memory_space<vmem>>
    %dma_wait3A_573 = tpu.memref_squeeze %dma_wait3A_572 : memref<1x128x128xf32, #tpu.memory_space<vmem>> -> memref<128x128xf32, #tpu.memory_space<vmem>>
    tpu.wait_dma2 semaphore(%arg18 : memref<!tpu.dma_semaphore, #tpu.memory_space<semaphore_mem>>) src(%dma_wait3A_573 : memref<128x128xf32, #tpu.memory_space<vmem>>) dst(%dma_wait3A_569 : memref<128x128xf32, #tpu.memory_space<hbm>>)
    return
  }
}

</mosaic_0001>

<sc_bundles>
// kernel: kernel.3.cloned.1.call-start
scs
__scs_entry_jumppad:
0x0: {  	(pc) =	sbr.rel $0x88, $3  }
0x1: {  	(tag) =	ssettag $0x0;
	lr =	simm.s32 $0x1  }
0x2: {  	[smem:$0x3F9F] =	sst lr;
	_ =	strace $0xD0000000  }
0x3: {  	_ = 	snop  }
0x4: {  	_ = 	snop  }
0x5: {  	_ = 	snop  }
0x6: {  	_ = 	snop  }
0x7: {  	_ = 	snop  }
__scs_overlays_trampoline_lowered:
0x8: {  	[smem:$0x3FAE] =	sst s0  }
0x9: {  	[smem:$0x3FAF] =	sst s1  }
0xa: {  	[smem:$0x3FB0] =	sst s2  }
0xb: {  	[smem:$0x3FB1] =	sst s3  }
0xc: {  	[smem:$0x3FB2] =	sst s4  }
0xd: {  	[smem:$0x3FB3] =	sst s5  }
0xe: {  	[smem:$0x3FB4] =	sst s6  }
0xf: {  	[smem:$0x3FB5] =	sst s7  }
0x10: {  	[smem:$0x3FB6] =	sst s8  }
0x11: {  	[smem:$0x3FB7] =	sst s9;
	s0 =	simm.s32 @!p0 $0x0  }
0x12: {  	s1 =	sld [smem:$0x3F9D];
	s0 =	simm.s32 @p0 $0x1  }
0x13: {  	[smem:$0x3FB8] =	sst s0;
	s0 =	simm.s32 @!p1 $0x0  }
0x14: {  	s2 =	sld [smem:$0x3F9C];
	s0 =	simm.s32 @p1 $0x1  }
0x15: {  	[smem:$0x3FB9] =	sst s0;
	s0 =	simm.s32 @!p2 $0x0  }
0x16: {  	s3 =	sld [smem:$0x3FDB];
	s0 =	simm.s32 @p2 $0x1  }
0x17: {  	s4 =	simm.s32 $0x1BF5;
	[smem:$0x3FBB] =	sst s0  }
0x18: {  	s0 =	sld [smem:$0x3F9E];
	_ =	swait.ge [sflag:s4], $0x0  }
0x19: {  	s7 =	sld [smem:$0x3F9F]  }
0x1a: {  	s8 =	sadd.s32 $0xFFFFE003, lr  }
0x1b: {  	s9 =	sadd.s32 $0xFFFFFEF7, lr;
	s5 =	simm.s32 $0xFFFFFFFF;
	p2 =	slt.u32 s8, $0xFFFFF086  }
0x1c: {  	p1 =	slt.u32 s9, $0xF7A;
	s5 =	simm.s32 @!p2 $0x0  }
0x1d: {  	s5 =	simm.s32 @p1 $0x1;
	p0 =	seq.s32 s7, s2  }
0x1e: {  	s7 =	smul.u32 @!p0 $0xF7A, s2;
	p2 =	seq.s32 @!p0 s5, $0x0  }
0x1f: {  	s9 =	smul.u32 $0xF7A, s1;
	s8 =	simm.s32 @!p0 $0x1BF5;
	p2 =	por !p2, p0  }
0x20: {  	[sflag:s8] =	ssyncset.s32 @!p0 $0xFFFFF086;
	s6 =	sadd.s32 @!p0 s3, s7;
	s7 =	simm.s32 @!p0 $0x108  }
0x21: {  	s3 =	sadd.s32 s3, s9;
	s6 =	sadd.s32 @!p0 $0x88, s6;
	s7 =	simm.s32 @p2 $0x1082  }
0x22: {  	[simem:s7], [sflag:s8] =	dma.local @!p0 [hbm:s6], $0xF7A  }
0x23: {  	s9 =	sor.u32 $0xD0000000, s2;
	s6 =	simm.s32 $0x108;
	_ =	swait.ge @!p0 [sflag:s8], $0x0  }
0x24: {  	s3 =	sadd.s32 $0x88, s3;
	s6 =	simm.s32 @!p1 $0x1082;
	[sflag:s4] =	ssyncset.s32 $0xFFFFF086  }
0x25: {  	[simem:s6], [sflag:s4] =	dma.local [hbm:s3], $0xF7A  }
0x26: {  	[smem:$0x3F9F] =	sst s1;
	(tag) =	ssettag s2;
	_ =	strace s9  }
0x27: {  	s1 =	sld [smem:$0x3FAF]  }
0x28: {  	s2 =	sld [smem:$0x3FB0]  }
0x29: {  	s4 =	sld [smem:$0x3FB2]  }
0x2a: {  	p0 =	seq.s32 s5, $0x0;
	s5 =	sld [smem:$0x3FB3]  }
0x2b: {  	s6 =	sld [smem:$0x3FB4]  }
0x2c: {  	s7 =	sld [smem:$0x3FB5]  }
0x2d: {  	s3 =	simm.s32 $0x108;
	s8 =	sld [smem:$0x3FB6]  }
0x2e: {  	s3 =	simm.s32 @!p0 $0x1082;
	s9 =	sld [smem:$0x3FB7]  }
0x2f: {  	lr =	sadd.s32 s0, s3;
	s0 =	sld [smem:$0x3FAE]  }
0x30: {  	s3 =	sld [smem:$0x3FB1]  }
0x31: {  	[smem:$0x3FBA] =	sst s10  }
0x32: {  	s10 =	sld [smem:$0x3FB8];
	_ =	sdelay $0x3  }
0x33: {  	p0 =	seq.s32 s10, $0x1;
	s10 =	sld [smem:$0x3FBA];
	_ =	sdelay $0x3  }
0x34: {  	[smem:$0x3FBA] =	sst s10  }
0x35: {  	s10 =	sld [smem:$0x3FB9];
	_ =	sdelay $0x3  }
0x36: {  	p1 =	seq.s32 s10, $0x1;
	s10 =	sld [smem:$0x3FBA];
	_ =	sdelay $0x3  }
0x37: {  	[smem:$0x3FBA] =	sst s10  }
0x38: {  	s10 =	sld [smem:$0x3FBB]  }
0x39: {  	_ = 	snop;
	(pc) =	sbr.ind lr, $3  }
0x3a: {  	_ = 	snop  }
0x3b: {  	_ = 	snop  }
0x3c: {  	p2 =	seq.s32 s10, $0x1;
	s10 =	sld [smem:$0x3FBA]  }
0x3d: {  	_ =	shalt  }
0x3e: {  	_ =	shalt  }
0x3f: {  	_ =	shalt  }
0x40: {  	_ =	shalt  }
0x41: {  	_ =	shalt  }
0x42: {  	_ =	shalt  }
0x43: {  	_ =	shalt  }
0x44: {  	_ =	shalt  }
0x45: {  	_ =	shalt  }
0x46: {  	_ =	shalt  }
0x47: {  	_ =	shalt  }
0x48: {  	_ =	shalt  }
0x49: {  	_ =	shalt  }
0x4a: {  	_ =	shalt  }
0x4b: {  	_ =	shalt  }
0x4c: {  	_ =	shalt  }
0x4d: {  	_ =	shalt  }
0x4e: {  	_ =	shalt  }
0x4f: {  	_ =	shalt  }
0x50: {  	_ =	shalt  }
0x51: {  	_ =	shalt  }
0x52: {  	_ =	shalt  }
0x53: {  	_ =	shalt  }
0x54: {  	_ =	shalt  }
0x55: {  	_ =	shalt  }
0x56: {  	_ =	shalt  }
0x57: {  	_ =	shalt  }
0x58: {  	_ =	shalt  }
0x59: {  	_ =	shalt  }
0x5a: {  	_ =	shalt  }
0x5b: {  	_ =	shalt  }
0x5c: {  	_ =	shalt  }
0x5d: {  	_ =	shalt  }
0x5e: {  	_ =	shalt  }
0x5f: {  	_ =	shalt  }
0x60: {  	_ =	shalt  }
0x61: {  	_ =	shalt  }
0x62: {  	_ =	shalt  }
0x63: {  	_ =	shalt  }
0x64: {  	_ =	shalt  }
0x65: {  	_ =	shalt  }
0x66: {  	_ =	shalt  }
0x67: {  	_ =	shalt  }
0x68: {  	_ =	shalt  }
0x69: {  	_ =	shalt  }
0x6a: {  	_ =	shalt  }
0x6b: {  	_ =	shalt  }
0x6c: {  	_ =	shalt  }
0x6d: {  	_ =	shalt  }
0x6e: {  	_ =	shalt  }
0x6f: {  	_ =	shalt  }
0x70: {  	_ =	shalt  }
0x71: {  	_ =	shalt  }
0x72: {  	_ =	shalt  }
0x73: {  	_ =	shalt  }
0x74: {  	_ =	shalt  }
0x75: {  	_ =	shalt  }
0x76: {  	_ =	shalt  }
0x77: {  	_ =	shalt  }
0x78: {  	_ =	shalt  }
0x79: {  	_ =	shalt  }
0x7a: {  	_ =	shalt  }
0x7b: {  	_ =	shalt  }
0x7c: {  	_ =	shalt  }
0x7d: {  	_ =	shalt  }
0x7e: {  	_ =	shalt  }
0x7f: {  	_ =	shalt  }
0x80: {  	_ =	shalt  }
0x81: {  	_ =	shalt  }
0x82: {  	_ =	shalt  }
0x83: {  	_ =	shalt  }
0x84: {  	_ =	shalt  }
0x85: {  	_ =	shalt  }
0x86: {  	_ =	shalt  }
0x87: {  	_ =	shalt  }
.Lfunc_end0:
.L_simem_size_0:
called_computation_lowered:
.L_overlay_start_0:
0x88: {  	s2 =	sld [smem:$0x3FD9]  }
0x89: {  	s3 =	sld [smem:$0x3FFE];
	_ =	sdelay $0x1  }
0x8a: {  	s1 =	srdreg.scid  }
0x8b: {  	s0 =	sand.u32 $0x1, s1  }
0x8c: {  	s18 =	sshll.u32 s0, $0xA;
	s2 =	sadd.s32 s3, s2  }
0x8d: {  	s2 =	sadd.s32 s2, s18  }
0x8e: {  	[smem:$0x3FC6] =	sst s2  }
0x8f: {  	_ = 	snop  }
0x90: {  	s2 =	sld [smem:$0x3FC9]  }
0x91: {  	s19 =	sld [smem:$0x3FC8]  }
0x92: {  	s4 =	sld [smem:$0x3FD0];
	(tm) =	ssettm $0x1  }
0x93: {  	s5 =	sld [smem:$0x3FFB];
	_ =	sdelay $0x3  }
0x94: {  	_ =	strace s5  }
0x95: {  	s5 =	sld [smem:$0x3FFC];
	_ =	sdelay $0x3  }
0x96: {  	_ =	strace s5  }
0x97: {  	s5 =	sld [smem:$0x3FFD];
	_ =	sdelay $0x3  }
0x98: {  	_ =	strace s5  }
0x99: {  	_ =	strace $0x8FFFFFFF  }
0x9a: {  	s20 =	sld [smem:$0x3FDB];
	_ =	sdelay $0x1  }
0x9b: {  	s6 =	simm.s32 $_scs_section_size  }
0x9c: {  	s7 =	simm.s32 $_size__tile_overlayer_lowered;
	s8 =	simm.s32 $_tile_overlayer_lowered  }
0x9d: {  	s23 =	simm.s32 $0x1BFF;
	s22 =	sshll.u32 s8, $0x1;
	s5 =	sadd.s32 s6, s20  }
0x9e: {  	s9 =	simm.s32 $0x0;
	s21 =	sshll.u32 s7, $0x1;
	s7 =	sadd.s32 s22, s5  }
0x9f: {  	[timem:s9], [sflag:s23] =	dma.local [hbm:s7], s21  }
0xa0: {  	_ =	swait.ge [sflag:s23], s21  }
0xa1: {  	s6 =	ssub.s32 $0x0, s21;
	[sflag:s23] =	ssyncset.done $0x0  }
0xa2: {  	[sflag:s23] =	ssyncadd.s32 s6;
	_ =	sdelay $0x1  }
0xa3: {  	s24 =	simm.s32 $0x1B8B  }
0xa4: {  	_ =	swait.ge [sflag:s24], $0x1  }
0xa5: {  	[sflag:s24] =	ssyncset.done $0x0  }
0xa6: {  	s25 =	simm.s32 $0x1B8E;
	[sflag:s24] =	ssyncadd.s32 $0xFFFFFFFF  }
0xa7: {  	s26 =	simm.s32 $execute0_lowered;
	[smem:$0x3FD2] =	sst s25  }
0xa8: {  	s6 =	sshll.u32 s26, $0x1;
	_ =	strace $0x80000046;
	[dreg:$0x1] =	wrdreg $0xFFFFFFFF  }
0xa9: {  	s28 =	simm.s32 $_size_execute0_lowered;
	s5 =	sadd.s32 s5, s6;
	[dreg:$0x0] =	wrdreg $0x0  }
0xaa: {  	s6 =	sshll.u32 s28, $0x1;
	[dreg:$0x2] =	wrdreg s5  }
0xab: {  	[dreg:$0x3] =	wrdreg s6  }
0xac: {  	[dreg:$0x4] =	wrdreg $0xC0  }
0xad: {  	_ =	task [dreg:s9], $0x5FFFF  }
0xae: {  	[dreg:$0x1] =	wrdreg $0xFFFFFFFF  }
0xaf: {  	[dreg:$0x0] =	wrdreg $0x60  }
0xb0: {  	[dreg:$0x2] =	wrdreg s2  }
0xb1: {  	[dreg:$0x3] =	wrdreg s19  }
0xb2: {  	[dreg:$0x4] =	wrdreg s4  }
0xb3: {  	[dreg:$0x5] =	wrdreg $0x9  }
0xb4: {  	_ =	task.clear_ibuf [dreg:s9], $0x6FFFF;
	_ =	strace $0x90000046  }
0xb5: {  	s29 =	simm.s32 $0x9;
	_ =	strace $0x80000048  }
0xb6: {  	_ =	swait.ge [sflag:s29], $0x1  }
0xb7: {  	[sflag:s29] =	ssyncadd.s32 $0xFFFFFFFF  }
0xb8: {  	_ =	strace $0x90000048  }
0xb9: {  	_ =	sfence  }
0xba: {  	s30 =	sld [smem:$0x0];
	_ =	sdelay $0x2  }
0xbb: {  	s31 =	sshll.u32 s1, $0xD;
	s1 =	sshrl.u32 s1, $0x2  }
0xbc: {  	s3 =	sand.u32 $0x4000, s31;
	s1 =	sadd.s32 s1, s30  }
0xbd: {  	s0 =	sor.u32 s3, s0;
	s1 =	sshll.u32 s1, $0x11  }
0xbe: {  	s0 =	sor.u32 s1, s0  }
0xbf: {  	s0 =	sadd.s32 $0x8F2B, s0  }
0xc0: {  	[sflag:s0] =	ssyncadd.remote.s32 $0x1  }
0xc1: {  	_ =	sfence.sel $0xFFFF  }
0xc2: {  	[dreg:$0x0] =	wrdreg $0xFFFFFFFF;
	(pc) =	sbr.abs _section_cstart, $3  }
0xc3: {  	[dreg:$0x1] =	wrdreg $0xFFFFFFFF  }
0xc4: {  	_ =	task.clear_ibuf [dreg:s9], $0x2FFFF;
	_ =	strace $0x9FFFFFFF  }
0xc5: {  	(tm) =	ssettm $0x7FFFFFFF  }
tec
execute0_lowered:
.L_overlay_start_1:
0x0: {  	(tag) =	ssettag $0x1  }
0x1: {  	s1 =	rddreg [dreg:$0x0]  }
0x2: {  	s0 =	rddreg [dreg:$0x1]  }
0x3: {  	s3 =	rddreg [dreg:$0x2]  }
0x4: {  	s2 =	srdreg.scid;
	s5 =	stileid.u32  }
0x5: {  	s4 =	simm.s32 $0x0;
	s23 =	simm.s32 $0x1800;
	s18 =	simm.s32 $0x9C00  }
0x6: {  	s28 =	simm.s32 $0xDC00;
	s30 =	simm.s32 $0x11C00;
	s29 =	simm.s32 $0x9  }
0x7: {  	s31 =	simm.s32 $0x4;
	s12 =	simm.s32 $0x6;
	s2 =	sand.u32 $0x1, s2  }
0x8: {  	s5 =	sshll.u32 s5, $0x8;
	[smem:$0x7FF] =	sst s4;
	s17 =	sadd.s32 $0x2B0000, s3  }
0x9: {  	s19 =	sadd.s32 $0x2C0000, s3;
	s20 =	sadd.s32 $0x2D0000, s3;
	s8 =	sadd.s32 $0x2E0000, s3  }
0xa: {  	s9 =	sadd.s32 $0x2F0000, s3;
	s10 =	sadd.s32 $0x300000, s3;
	s11 =	sadd.s32 $0x310000, s3  }
0xb: {  	s6 =	sshll.u32 s2, $0x7;
	s2 =	ssub.s32 $0x2, s2;
	_ =	strace $0x80000047  }
0xc: {  	s5 =	sor.u32 s6, s5;
	s13 =	sshrl.u32 s2, $0x1;
	s6 =	simm.s32 $0xA  }
0xd: {  	s7 =	sadd.s32 s0, s5;
	s14 =	ssub.s32 s2, s13;
	s13 =	simm.s32 $0xD  }
0xe: {  	s2 =	simm.s32 $0x1;
	[dreg:$0x4] =	wrdreg s7;
	s15 =	sadd.s32 $0x6000, s7  }
0xf: {  	s7 =	sshll.u32 s5, $0x4;
	s0 =	smax.u32 s14, $0x1;
	s14 =	simm.s32 $0x80  }
0x10: {  	s5 =	simm.s32 $0xB;
	[dreg:$0x5] =	wrdreg s15;
	s16 =	sadd.s32 s3, s7  }
0x11: {  	[dreg:$0x7] =	wrdreg s0;
	s15 =	simm.s32 $0x1C00;
	s21 =	sadd.s32 s7, s17  }
0x12: {  	s22 =	sadd.s32 s7, s19;
	s24 =	sadd.s32 s7, s20;
	[dreg:$0x6] =	wrdreg s16  }
0x13: {  	s25 =	sadd.s32 s7, s8;
	s26 =	sadd.s32 s7, s9;
	[dreg:$0x8] =	wrdreg s21  }
0x14: {  	s0 =	simm.s32 $0x15C00;
	s17 =	simm.s32 $0x8;
	[dreg:$0x9] =	wrdreg s22  }
0x15: {  	s8 =	simm.s32 $0x5;
	s9 =	simm.s32 $0xC;
	[dreg:$0xa] =	wrdreg s24  }
0x16: {  	s19 =	simm.s32 $0x0;
	s16 =	simm.s32 $0x5C00;
	[dreg:$0xb] =	wrdreg s25  }
0x17: {  	[dreg:$0xc] =	wrdreg s26;
	s24 =	sadd.s32 s7, s10;
	s25 =	sadd.s32 s7, s11  }
0x18: {  	s10 =	simm.s32 $0x7;
	s11 =	simm.s32 $0x2;
	s26 =	simm.s32 $0x3  }
.LBB2_1:
0x19: {  	s20 =	rddreg [dreg:$0x4];
	s21 =	simm.s32 $0x400;
	s22 =	simm.s32 $0x8000  }
0x1a: {  	[tilespmem:s4], [sflag:$0xD] =	stream.strided.gather [hbm4b:s20+s21], $0x1800, s22, s21, $0x38;
	[tilespmem:$0x19C00] =	vst v63  }
0x1b: {  	s21 =	rddreg [dreg:$0x5]  }
0x1c: {  	[tilespmem:s23], [sflag:$0xD] =	stream.linear.gather [hbm4b:s21+s4], $0x100, $0x38;
	[tilespmem:$0x19C00] =	vst v63  }
0x1d: {  	_ =	swait.ge [sflag:s13], $0x1900  }
0x1e: {  	[sflag:s13] =	ssyncset.done $0x0  }
0x1f: {  	[sflag:s13] =	ssyncadd.s32 $0xFFFFE700  }
0x20: {  	[tilespmem:s15], [sflag:$0x1] =	stream.indirect.gather [hbm4b:s1+s14], $0x80, s4, s14, $0xb8;
	[tilespmem:$0x19C00] =	vst v63  }
0x21: {  	_ = 	snop  }
0x22: {  	[tilespmem:s16], [sflag:$0x2] =	stream.indirect.gather [hbm4b:s1+s14], $0x80, s14, s14, $0xb8;
	[tilespmem:$0x19C00] =	vst v63  }
0x23: {  	s22 =	simm.s32 $0x100  }
0x24: {  	[tilespmem:s18], [sflag:$0x3] =	stream.indirect.gather [hbm4b:s1+s14], $0x80, s22, s14, $0xb8;
	[tilespmem:$0x19C00] =	vst v63  }
0x25: {  	s23 =	simm.s32 $0x180  }
0x26: {  	[tilespmem:s28], [sflag:$0x4] =	stream.indirect.gather [hbm4b:s1+s14], $0x80, s23, s14, $0xb8;
	[tilespmem:$0x19C00] =	vst v63  }
0x27: {  	s21 =	simm.s32 $0x200  }
0x28: {  	[tilespmem:s30], [sflag:$0x5] =	stream.indirect.gather [hbm4b:s1+s14], $0x80, s21, s14, $0xb8;
	[tilespmem:$0x19C00] =	vst v63  }
0x29: {  	s22 =	simm.s32 $0x280  }
0x2a: {  	[tilespmem:s0], [sflag:$0x6] =	stream.indirect.gather [hbm4b:s1+s14], $0x80, s22, s14, $0xb8;
	[tilespmem:$0x19C00] =	vst v63  }
0x2b: {  	_ =	swait.ge [sflag:s2], $0x4000  }
0x2c: {  	[sflag:s2] =	ssyncset.done $0x0  }
0x2d: {  	s23 =	rddreg [dreg:$0x6];
	[sflag:s2] =	ssyncadd.s32 $0xFFFFC000  }
0x2e: {  	[hbm4b:s23+s4] =	stream.linear.scatter [tilespmem:s15], [sflag:$0x7], $0x4000, $0x38;
	[tilespmem:$0x19C00] =	vst v63  }
0x2f: {  	_ =	swait.ge [sflag:s10], $0x4000  }
0x30: {  	[sflag:s10] =	ssyncset.done $0x0  }
0x31: {  	s21 =	simm.s32 $0x300;
	[sflag:s10] =	ssyncadd.s32 $0xFFFFC000  }
0x32: {  	[tilespmem:s15], [sflag:$0x1] =	stream.indirect.gather [hbm4b:s1+s14], $0x80, s21, s14, $0xb8;
	[tilespmem:$0x19C00] =	vst v63  }
0x33: {  	s22 =	sadd.s32 $0x0, s3;
	_ =	swait.ge [sflag:s11], $0x4000  }
0x34: {  	s21 =	sadd.s32 s7, s22;
	[sflag:s11] =	ssyncset.done $0x0  }
0x35: {  	s20 =	sadd.s32 $0x10000, s21;
	[sflag:s11] =	ssyncadd.s32 $0xFFFFC000  }
0x36: {  	[hbm4b:s20+s4] =	stream.linear.scatter [tilespmem:s16], [sflag:$0x8], $0x4000, $0x38;
	[tilespmem:$0x19C00] =	vst v63  }
0x37: {  	_ =	swait.ge [sflag:s17], $0x4000  }
0x38: {  	[sflag:s17] =	ssyncset.done $0x0  }
0x39: {  	s23 =	simm.s32 $0x380;
	[sflag:s17] =	ssyncadd.s32 $0xFFFFC000  }
0x3a: {  	[tilespmem:s16], [sflag:$0x2] =	stream.indirect.gather [hbm4b:s1+s14], $0x80, s23, s14, $0xb8;
	[tilespmem:$0x19C00] =	vst v63  }
0x3b: {  	_ =	swait.ge [sflag:s26], $0x4000  }
0x3c: {  	[sflag:s26] =	ssyncset.done $0x0  }
0x3d: {  	s22 =	sadd.s32 $0x20000, s21;
	[sflag:s26] =	ssyncadd.s32 $0xFFFFC000  }
0x3e: {  	[hbm4b:s22+s4] =	stream.linear.scatter [tilespmem:s18], [sflag:$0x9], $0x4000, $0x38;
	[tilespmem:$0x19C00] =	vst v63  }
0x3f: {  	_ =	swait.ge [sflag:s29], $0x4000  }
0x40: {  	[sflag:s29] =	ssyncset.done $0x0  }
0x41: {  	s23 =	simm.s32 $0x400;
	[sflag:s29] =	ssyncadd.s32 $0xFFFFC000  }
0x42: {  	[tilespmem:s18], [sflag:$0x3] =	stream.indirect.gather [hbm4b:s1+s14], $0x80, s23, s14, $0xb8;
	[tilespmem:$0x19C00] =	vst v63  }
0x43: {  	_ =	swait.ge [sflag:s31], $0x4000  }
0x44: {  	[sflag:s31] =	ssyncset.done $0x0  }
0x45: {  	s22 =	sadd.s32 $0x30000, s21;
	[sflag:s31] =	ssyncadd.s32 $0xFFFFC000  }
0x46: {  	[hbm4b:s22+s4] =	stream.linear.scatter [tilespmem:s28], [sflag:$0xA], $0x4000, $0x38;
	[tilespmem:$0x19C00] =	vst v63  }
0x47: {  	_ =	swait.ge [sflag:s6], $0x4000  }
0x48: {  	[sflag:s6] =	ssyncset.done $0x0  }
0x49: {  	s23 =	simm.s32 $0x480;
	[sflag:s6] =	ssyncadd.s32 $0xFFFFC000  }
0x4a: {  	[tilespmem:s28], [sflag:$0x4] =	stream.indirect.gather [hbm4b:s1+s14], $0x80, s23, s14, $0xb8;
	[tilespmem:$0x19C00] =	vst v63  }
0x4b: {  	_ =	swait.ge [sflag:s8], $0x4000  }
0x4c: {  	[sflag:s8] =	ssyncset.done $0x0  }
0x4d: {  	s22 =	sadd.s32 $0x40000, s21;
	[sflag:s8] =	ssyncadd.s32 $0xFFFFC000  }
0x4e: {  	[hbm4b:s22+s4] =	stream.linear.scatter [tilespmem:s30], [sflag:$0xB], $0x4000, $0x38;
	[tilespmem:$0x19C00] =	vst v63  }
0x4f: {  	_ =	swait.ge [sflag:s5], $0x4000  }
0x50: {  	[sflag:s5] =	ssyncset.done $0x0  }
0x51: {  	s23 =	simm.s32 $0x500;
	[sflag:s5] =	ssyncadd.s32 $0xFFFFC000  }
0x52: {  	[tilespmem:s30], [sflag:$0x5] =	stream.indirect.gather [hbm4b:s1+s14], $0x80, s23, s14, $0xb8;
	[tilespmem:$0x19C00] =	vst v63  }
0x53: {  	_ =	swait.ge [sflag:s12], $0x4000  }
0x54: {  	[sflag:s12] =	ssyncset.done $0x0  }
0x55: {  	s22 =	sadd.s32 $0x50000, s21;
	[sflag:s12] =	ssyncadd.s32 $0xFFFFC000  }
0x56: {  	[hbm4b:s22+s4] =	stream.linear.scatter [tilespmem:s0], [sflag:$0xC], $0x4000, $0x38;
	[tilespmem:$0x19C00] =	vst v63  }
0x57: {  	_ =	swait.ge [sflag:s9], $0x4000  }
0x58: {  	[sflag:s9] =	ssyncset.done $0x0  }
0x59: {  	s23 =	simm.s32 $0x580;
	[sflag:s9] =	ssyncadd.s32 $0xFFFFC000  }
0x5a: {  	[tilespmem:s0], [sflag:$0x6] =	stream.indirect.gather [hbm4b:s1+s14], $0x80, s23, s14, $0xb8;
	[tilespmem:$0x19C00] =	vst v63  }
0x5b: {  	_ =	swait.ge [sflag:s2], $0x4000  }
0x5c: {  	s20 =	simm.s32 $0x60000;
	[sflag:s2] =	ssyncset.done $0x0  }
0x5d: {  	s22 =	sadd.s32 $0x60000, s21;
	s21 =	simm.s32 $0x880;
	[sflag:s2] =	ssyncadd.s32 $0xFFFFC000  }
.LBB2_2:
0x5e: {  	[hbm4b:s22+s4] =	stream.linear.scatter [tilespmem:s15], [sflag:$0x7], $0x4000, $0x38;
	[tilespmem:$0x19C00] =	vst v63  }
0x5f: {  	s22 =	smov.u32 s20  }
0x60: {  	p0 =	sne.s32 s20, $0x240000;
	s20 =	sadd.s32 $0x60000, s20;
	_ =	swait.ge [sflag:s10], $0x4000  }
0x61: {  	[sflag:s10] =	ssyncset.done $0x0  }
0x62: {  	s23 =	sadd.s32 $0xFFFFFD80, s21;
	[sflag:s10] =	ssyncadd.s32 $0xFFFFC000  }
0x63: {  	[tilespmem:s15], [sflag:$0x1] =	stream.indirect.gather [hbm4b:s1+s14], $0x80, s23, s14, $0xb8;
	[tilespmem:$0x19C00] =	vst v63  }
0x64: {  	s22 =	sadd.s32 s22, s3;
	_ =	swait.ge [sflag:s11], $0x4000  }
0x65: {  	s22 =	sadd.s32 s7, s22;
	[sflag:s11] =	ssyncset.done $0x0  }
0x66: {  	s23 =	sadd.s32 $0x10000, s22;
	[sflag:s11] =	ssyncadd.s32 $0xFFFFC000  }
0x67: {  	[hbm4b:s23+s4] =	stream.linear.scatter [tilespmem:s16], [sflag:$0x8], $0x4000, $0x38;
	[tilespmem:$0x19C00] =	vst v63  }
0x68: {  	_ =	swait.ge [sflag:s17], $0x4000  }
0x69: {  	[sflag:s17] =	ssyncset.done $0x0  }
0x6a: {  	s23 =	sadd.s32 $0xFFFFFE00, s21;
	[sflag:s17] =	ssyncadd.s32 $0xFFFFC000  }
0x6b: {  	[tilespmem:s16], [sflag:$0x2] =	stream.indirect.gather [hbm4b:s1+s14], $0x80, s23, s14, $0xb8;
	[tilespmem:$0x19C00] =	vst v63  }
0x6c: {  	_ =	swait.ge [sflag:s26], $0x4000  }
0x6d: {  	[sflag:s26] =	ssyncset.done $0x0  }
0x6e: {  	s23 =	sadd.s32 $0x20000, s22;
	[sflag:s26] =	ssyncadd.s32 $0xFFFFC000  }
0x6f: {  	[hbm4b:s23+s4] =	stream.linear.scatter [tilespmem:s18], [sflag:$0x9], $0x4000, $0x38;
	[tilespmem:$0x19C00] =	vst v63  }
0x70: {  	_ =	swait.ge [sflag:s29], $0x4000  }
0x71: {  	[sflag:s29] =	ssyncset.done $0x0  }
0x72: {  	s23 =	sadd.s32 $0xFFFFFE80, s21;
	[sflag:s29] =	ssyncadd.s32 $0xFFFFC000  }
0x73: {  	[tilespmem:s18], [sflag:$0x3] =	stream.indirect.gather [hbm4b:s1+s14], $0x80, s23, s14, $0xb8;
	[tilespmem:$0x19C00] =	vst v63  }
0x74: {  	_ =	swait.ge [sflag:s31], $0x4000  }
0x75: {  	[sflag:s31] =	ssyncset.done $0x0  }
0x76: {  	s23 =	sadd.s32 $0x30000, s22;
	[sflag:s31] =	ssyncadd.s32 $0xFFFFC000  }
0x77: {  	[hbm4b:s23+s4] =	stream.linear.scatter [tilespmem:s28], [sflag:$0xA], $0x4000, $0x38;
	[tilespmem:$0x19C00] =	vst v63  }
0x78: {  	_ =	swait.ge [sflag:s6], $0x4000  }
0x79: {  	[sflag:s6] =	ssyncset.done $0x0  }
0x7a: {  	s23 =	sadd.s32 $0xFFFFFF00, s21;
	[sflag:s6] =	ssyncadd.s32 $0xFFFFC000  }
0x7b: {  	[tilespmem:s28], [sflag:$0x4] =	stream.indirect.gather [hbm4b:s1+s14], $0x80, s23, s14, $0xb8;
	[tilespmem:$0x19C00] =	vst v63  }
0x7c: {  	_ =	swait.ge [sflag:s8], $0x4000  }
0x7d: {  	[sflag:s8] =	ssyncset.done $0x0  }
0x7e: {  	s23 =	sadd.s32 $0x40000, s22;
	[sflag:s8] =	ssyncadd.s32 $0xFFFFC000  }
0x7f: {  	[hbm4b:s23+s4] =	stream.linear.scatter [tilespmem:s30], [sflag:$0xB], $0x4000, $0x38;
	[tilespmem:$0x19C00] =	vst v63  }
0x80: {  	_ =	swait.ge [sflag:s5], $0x4000  }
0x81: {  	[sflag:s5] =	ssyncset.done $0x0  }
0x82: {  	s23 =	sadd.s32 $0xFFFFFF80, s21;
	[sflag:s5] =	ssyncadd.s32 $0xFFFFC000  }
0x83: {  	[tilespmem:s30], [sflag:$0x5] =	stream.indirect.gather [hbm4b:s1+s14], $0x80, s23, s14, $0xb8;
	[tilespmem:$0x19C00] =	vst v63  }
0x84: {  	_ =	swait.ge [sflag:s12], $0x4000  }
0x85: {  	[sflag:s12] =	ssyncset.done $0x0  }
0x86: {  	s23 =	sadd.s32 $0x50000, s22;
	[sflag:s12] =	ssyncadd.s32 $0xFFFFC000  }
0x87: {  	[hbm4b:s23+s4] =	stream.linear.scatter [tilespmem:s0], [sflag:$0xC], $0x4000, $0x38;
	[tilespmem:$0x19C00] =	vst v63  }
0x88: {  	_ =	swait.ge [sflag:s9], $0x4000  }
0x89: {  	[sflag:s9] =	ssyncset.done $0x0  }
.Ltmp0:
0x8a: {  	[sflag:s9] =	ssyncadd.s32 $0xFFFFC000;
	(pc) =	sbr.rel @p0 .LBB2_2-.Ltmp0, $4  }
0x8b: {  	[tilespmem:s0], [sflag:$0x6] =	stream.indirect.gather [hbm4b:s1+s14], $0x80, s21, s14, $0xb8;
	[tilespmem:$0x19C00] =	vst v63  }
0x8c: {  	_ =	swait.ge [sflag:s2], $0x4000  }
0x8d: {  	[sflag:s2] =	ssyncset.done $0x0  }
0x8e: {  	s22 =	sadd.s32 $0x60000, s22;
	s21 =	sadd.s32 $0x300, s21;
	[sflag:s2] =	ssyncadd.s32 $0xFFFFC000  }
0x8f: {  	[hbm4b:s22+s4] =	stream.linear.scatter [tilespmem:s15], [sflag:$0x7], $0x4000, $0x38;
	[tilespmem:$0x19C00] =	vst v63  }
0x90: {  	_ =	swait.ge [sflag:s10], $0x4000  }
0x91: {  	[sflag:s10] =	ssyncset.done $0x0  }
0x92: {  	s23 =	simm.s32 $0x1800;
	[sflag:s10] =	ssyncadd.s32 $0xFFFFC000  }
0x93: {  	[tilespmem:s15], [sflag:$0x1] =	stream.indirect.gather [hbm4b:s1+s14], $0x80, s23, s14, $0xb8;
	[tilespmem:$0x19C00] =	vst v63  }
0x94: {  	_ =	swait.ge [sflag:s11], $0x4000  }
0x95: {  	[sflag:s11] =	ssyncset.done $0x0  }
0x96: {  	s20 =	rddreg [dreg:$0x8];
	[sflag:s11] =	ssyncadd.s32 $0xFFFFC000  }
0x97: {  	[hbm4b:s20+s4] =	stream.linear.scatter [tilespmem:s16], [sflag:$0x8], $0x4000, $0x38;
	[tilespmem:$0x19C00] =	vst v63  }
0x98: {  	_ =	swait.ge [sflag:s17], $0x4000  }
0x99: {  	[sflag:s17] =	ssyncset.done $0x0  }
0x9a: {  	s21 =	simm.s32 $0x1880;
	[sflag:s17] =	ssyncadd.s32 $0xFFFFC000  }
0x9b: {  	[tilespmem:s16], [sflag:$0x2] =	stream.indirect.gather [hbm4b:s1+s14], $0x80, s21, s14, $0xb8;
	[tilespmem:$0x19C00] =	vst v63  }
0x9c: {  	_ =	swait.ge [sflag:s26], $0x4000  }
0x9d: {  	[sflag:s26] =	ssyncset.done $0x0  }
0x9e: {  	s22 =	rddreg [dreg:$0x9];
	[sflag:s26] =	ssyncadd.s32 $0xFFFFC000  }
0x9f: {  	[hbm4b:s22+s4] =	stream.linear.scatter [tilespmem:s18], [sflag:$0x9], $0x4000, $0x38;
	[tilespmem:$0x19C00] =	vst v63  }
0xa0: {  	_ =	swait.ge [sflag:s31], $0x4000  }
0xa1: {  	[sflag:s31] =	ssyncset.done $0x0  }
0xa2: {  	s21 =	rddreg [dreg:$0xa];
	[sflag:s31] =	ssyncadd.s32 $0xFFFFC000  }
0xa3: {  	[hbm4b:s21+s4] =	stream.linear.scatter [tilespmem:s28], [sflag:$0xA], $0x4000, $0x38;
	[tilespmem:$0x19C00] =	vst v63  }
0xa4: {  	_ =	swait.ge [sflag:s8], $0x4000  }
0xa5: {  	[sflag:s8] =	ssyncset.done $0x0  }
0xa6: {  	s22 =	rddreg [dreg:$0xb];
	[sflag:s8] =	ssyncadd.s32 $0xFFFFC000  }
0xa7: {  	[hbm4b:s22+s4] =	stream.linear.scatter [tilespmem:s30], [sflag:$0xB], $0x4000, $0x38;
	[tilespmem:$0x19C00] =	vst v63  }
0xa8: {  	_ =	swait.ge [sflag:s12], $0x4000  }
0xa9: {  	[sflag:s12] =	ssyncset.done $0x0  }
0xaa: {  	s21 =	rddreg [dreg:$0xc];
	[sflag:s12] =	ssyncadd.s32 $0xFFFFC000  }
0xab: {  	[hbm4b:s21+s4] =	stream.linear.scatter [tilespmem:s0], [sflag:$0xC], $0x4000, $0x38;
	[tilespmem:$0x19C00] =	vst v63  }
0xac: {  	_ =	swait.ge [sflag:s2], $0x4000  }
0xad: {  	[sflag:s2] =	ssyncset.done $0x0  }
0xae: {  	[sflag:s2] =	ssyncadd.s32 $0xFFFFC000  }
0xaf: {  	[hbm4b:s24+s4] =	stream.linear.scatter [tilespmem:s15], [sflag:$0x7], $0x4000, $0x38;
	[tilespmem:$0x19C00] =	vst v63  }
0xb0: {  	_ =	swait.ge [sflag:s11], $0x4000  }
0xb1: {  	[sflag:s11] =	ssyncset.done $0x0  }
0xb2: {  	[sflag:s11] =	ssyncadd.s32 $0xFFFFC000  }
0xb3: {  	[hbm4b:s25+s4] =	stream.linear.scatter [tilespmem:s16], [sflag:$0x8], $0x4000, $0x38;
	[tilespmem:$0x19C00] =	vst v63  }
0xb4: {  	_ =	swait.ge [sflag:s10], $0x4000  }
0xb5: {  	[sflag:s10] =	ssyncset.done $0x0  }
0xb6: {  	[sflag:s10] =	ssyncadd.s32 $0xFFFFC000  }
0xb7: {  	_ =	swait.ge [sflag:s17], $0x4000  }
0xb8: {  	[sflag:s17] =	ssyncset.done $0x0  }
0xb9: {  	[sflag:s17] =	ssyncadd.s32 $0xFFFFC000  }
0xba: {  	_ =	swait.ge [sflag:s29], $0x4000  }
0xbb: {  	[sflag:s29] =	ssyncset.done $0x0  }
0xbc: {  	[sflag:s29] =	ssyncadd.s32 $0xFFFFC000  }
0xbd: {  	_ =	swait.ge [sflag:s6], $0x4000  }
0xbe: {  	[sflag:s6] =	ssyncset.done $0x0  }
0xbf: {  	[sflag:s6] =	ssyncadd.s32 $0xFFFFC000  }
0xc0: {  	_ =	swait.ge [sflag:s5], $0x4000  }
0xc1: {  	[sflag:s5] =	ssyncset.done $0x0  }
0xc2: {  	[sflag:s5] =	ssyncadd.s32 $0xFFFFC000  }
0xc3: {  	_ =	swait.ge [sflag:s9], $0x4000  }
0xc4: {  	s19 =	sadd.s32 $0x1, s19;
	s22 =	rddreg [dreg:$0x7]  }
0xc5: {  	p0 =	sne.s32 s19, s22  }
.Ltmp1:
0xc6: {  	_ = 	snop;
	(pc) =	sbr.rel @p0 .LBB2_1-.Ltmp1, $3  }
0xc7: {  	_ =	sdelay $0x1  }
0xc8: {  	[sflag:s9] =	ssyncset.done $0x0  }
0xc9: {  	[sflag:s9] =	ssyncadd.s32 $0xFFFFC000  }
0xca: {  	_ =	sfence.sel $0x180000  }
0xcb: {  	[bflag:$0x0] =	sbarrier.arrive $0xFFFF  }
0xcc: {  	_ =	strace $0x90000047  }
0xcd: {  	s0 =	stileid.u32;
	[bflag:$0x2] =	sbarrier.arrive $0xFFFF  }
0xce: {  	p0 =	sne.s32 s0, $0x0;
	s0 =	rddreg [dreg:$0x3]  }
0xcf: {  	s0 =	sadd.s32 @!p0 $0x100000, s0  }
0xd0: {  	[sflag:s0] =	ssyncadd.tile.s32 @!p0 $0x1;
	_ =	shalt  }
.Lfunc_end2:
_tile_overlayer_lowered:
.L_overlay_start_2:
0xd1: {  	(tag) =	ssettag $0x2  }
0xd2: {  	s0 =	rddreg [dreg:$0x0];
	s2 =	stileid.u32  }
0xd3: {  	s1 =	rddreg [dreg:$0x1];
	p0 =	sne.s32 s2, $0x0  }
0xd4: {  	s3 =	rddreg [dreg:$0x2];
	[bflag:$0x3] =	sbarrier.arrive $0xFFFF;
	s2 =	simm.s32 @!p0 $0x1C0D  }
0xd5: {  	[timem:s3], [sflag:s2] =	dma.local @!p0 [hbm:s0], s1  }
0xd6: {  	s0 =	simm.s32 @!p0 $0xD  }
0xd7: {  	_ =	swait.ge @!p0 [sflag:s0], s1  }
0xd8: {  	s1 =	ssub.s32 @!p0 $0x0, s1;
	[sflag:s0] =	ssyncset.done @!p0 $0x0  }
0xd9: {  	[sflag:s0] =	ssyncadd.s32 @!p0 s1  }
0xda: {  	[bflag:$0x3] =	sbarrier.arrive $0xFFFF  }
0xdb: {  	_ =	shalt  }

</sc_bundles>
